<compile_context>
chip_gen: v7x
topology: tpu7x:2x2x1
jax: 0.10.2.dev20260603
libtpu: 0.0.44.dev20260713+nightly
codegen_flags: <defaults>
</compile_context>

<pallas_src>
import functools

import jax
import jax.numpy as jnp
from jax import lax
from jax.experimental import pallas as pl
from jax.experimental.pallas import tpu as pltpu
from jax.experimental.pallas import tpu_sc as plsc

N = 10000
N_PAD = 10112
ROWS_PER_SUB = N_PAD // 16
F_IN = 128
H = 128
Z = 64

E = 160000
NW = 32
K = 64
NCHUNK = 81
EPT = NCHUNK * K
E_PAD = EPT * NW

BM = 2048

_MESH = plsc.VectorSubcoreMesh(core_axis_name="c", subcore_axis_name="s")


NBUF = 3


def _sc_scatter_body(width, u_hbm, zeros_hbm, src_hbm, dst_hbm, out_hbm,
                     acc, sidx, didx, rows, isem, nsem, gsems, ssems):
    c = lax.axis_index("c")
    s = lax.axis_index("s")
    wid = s * 2 + c
    r0 = s * ROWS_PER_SUB

    pltpu.async_copy(src_hbm.at[wid], sidx, isem)
    pltpu.async_copy(dst_hbm.at[wid], didx, isem)

    @pl.when(c == 0)
    def _():
        pltpu.async_copy(u_hbm.at[pl.ds(r0, ROWS_PER_SUB)],
                         acc.at[pl.ds(r0, ROWS_PER_SUB)], nsem)

    @pl.when(c != 0)
    def _():
        pltpu.async_copy(zeros_hbm.at[pl.ds(r0, ROWS_PER_SUB)],
                         acc.at[pl.ds(r0, ROWS_PER_SUB)], nsem)

    pltpu.make_async_copy(src_hbm.at[wid], sidx, isem).wait()
    pltpu.make_async_copy(dst_hbm.at[wid], didx, isem).wait()

    def gather(j, b):
        pltpu.async_copy(u_hbm.at[sidx.at[j]], rows[b], gsems[b])

    def wait_gather(b):
        pltpu.make_async_copy(u_hbm.at[sidx.at[0]], rows[b], gsems[b]).wait()

    def scatter(j, b):
        pltpu.async_copy(rows[b], acc.at[didx.at[j]], ssems[b], add=True)

    def wait_scatter(b):
        pltpu.make_async_copy(rows[b], acc.at[didx.at[0]], ssems[b]).wait()

    gather(0, 0)
    gather(1, 1)
    pltpu.make_async_copy(u_hbm.at[pl.ds(0, ROWS_PER_SUB)],
                          acc.at[pl.ds(0, ROWS_PER_SUB)], nsem).wait()
    plsc.subcore_barrier()

    def body(i, carry):
        for u in range(NBUF):
            j = NBUF * i + u
            b = u
            bp = (u + 2) % NBUF
            wait_gather(b)
            scatter(j, b)
            if u == 0:
                @pl.when(i > 0)
                def _():
                    wait_scatter(bp)
            else:
                wait_scatter(bp)

            @pl.when(j + 2 < NCHUNK)
            def _():
                gather(j + 2, bp)

        return carry

    lax.fori_loop(0, NCHUNK // NBUF, body, 0)
    wait_scatter((NCHUNK - 1) % NBUF)
    plsc.subcore_barrier()

    pltpu.sync_copy(acc.at[pl.ds(r0, ROWS_PER_SUB)],
                    out_hbm.at[c, pl.ds(r0, ROWS_PER_SUB)])


def _make_sc_scatter(width):
    return pl.kernel(
        functools.partial(_sc_scatter_body, width),
        mesh=_MESH,
        out_type=jax.ShapeDtypeStruct((2, N_PAD, width), jnp.float32),
        scratch_types=[
            pltpu.VMEM_SHARED((N_PAD, width), jnp.float32),
            pltpu.VMEM((NCHUNK, K), jnp.int32),
            pltpu.VMEM((NCHUNK, K), jnp.int32),
            [pltpu.VMEM((K, width), jnp.float32)] * NBUF,
            pltpu.SemaphoreType.DMA,
            pltpu.SemaphoreType.DMA,
            [pltpu.SemaphoreType.DMA] * NBUF,
            [pltpu.SemaphoreType.DMA] * NBUF,
        ],
    )


_sc_scatter_128 = _make_sc_scatter(128)


def _sc_deg_body(ones_hbm, zeros_hbm, dst_hbm, out_hbm, acc, didx, ones_v, sem):
    c = lax.axis_index("c")
    s = lax.axis_index("s")
    wid = s * 2 + c
    r0 = s * ROWS_PER_SUB

    pltpu.sync_copy(dst_hbm.at[wid], didx)
    pltpu.sync_copy(zeros_hbm.at[pl.ds(r0, ROWS_PER_SUB)],
                    acc.at[pl.ds(r0, ROWS_PER_SUB)])
    pltpu.sync_copy(ones_hbm, ones_v)
    plsc.subcore_barrier()

    def body(j, carry):
        pltpu.async_copy(ones_v, acc.at[didx.at[j]], sem, add=True)
        return carry

    lax.fori_loop(0, NCHUNK, body, 0)

    def drain(j, carry):
        pltpu.make_async_copy(ones_v, acc.at[didx.at[0]], sem).wait()
        return carry

    lax.fori_loop(0, NCHUNK, drain, 0)
    plsc.subcore_barrier()

    pltpu.sync_copy(acc.at[pl.ds(r0, ROWS_PER_SUB)],
                    out_hbm.at[c, pl.ds(r0, ROWS_PER_SUB)])


_sc_deg = pl.kernel(
    _sc_deg_body,
    mesh=_MESH,
    out_type=jax.ShapeDtypeStruct((2, N_PAD, 128), jnp.float32),
    scratch_types=[
        pltpu.VMEM_SHARED((N_PAD, 128), jnp.float32),
        pltpu.VMEM((NCHUNK, K), jnp.int32),
        pltpu.VMEM((K, 128), jnp.float32),
        pltpu.SemaphoreType.DMA,
    ],
)



def _xw_kernel(x_ref, w_ref, o_ref):
    o_ref[...] = jnp.dot(x_ref[...], w_ref[...],
                         preferred_element_type=jnp.float32)


def _xw(x, w):
    g = pl.cdiv(N_PAD, BM)
    return pl.pallas_call(
        _xw_kernel,
        grid=(g,),
        in_specs=[
            pl.BlockSpec((BM, F_IN), lambda i: (i, 0)),
            pl.BlockSpec((F_IN, H), lambda i: (0, 0)),
        ],
        out_specs=pl.BlockSpec((BM, H), lambda i: (i, 0)),
        out_shape=jax.ShapeDtypeStruct((N_PAD, H), jnp.float32),
    )(x, w)


def _prep_kernel(dega_ref, degb_ref, xw_ref, dinv_ref, u_ref):
    deg = dega_ref[...] + degb_ref[...] + 1.0
    dinv = lax.rsqrt(deg)
    dinv_ref[...] = dinv
    u_ref[...] = dinv * xw_ref[...]


def _prep(dega, degb, xw):
    g = pl.cdiv(N_PAD, BM)
    return pl.pallas_call(
        _prep_kernel,
        grid=(g,),
        in_specs=[
            pl.BlockSpec((BM, 1), lambda i: (i, 0)),
            pl.BlockSpec((BM, 1), lambda i: (i, 0)),
            pl.BlockSpec((BM, H), lambda i: (i, 0)),
        ],
        out_specs=[
            pl.BlockSpec((BM, 1), lambda i: (i, 0)),
            pl.BlockSpec((BM, H), lambda i: (i, 0)),
        ],
        out_shape=[
            jax.ShapeDtypeStruct((N_PAD, 1), jnp.float32),
            jax.ShapeDtypeStruct((N_PAD, H), jnp.float32),
        ],
    )(dega, degb, xw)


def _fused_layer_kernel(s_ref, dinv_ref, b_ref, w_ref, o_ref):
    h = jnp.maximum(dinv_ref[...] * (s_ref[0] + s_ref[1]) + b_ref[...], 0.0)
    o_ref[...] = dinv_ref[...] * jnp.dot(h, w_ref[...],
                                         preferred_element_type=jnp.float32)


def _fused_layer(s, dinv, b, w):
    g = pl.cdiv(N_PAD, BM)
    win = s.shape[2]
    return pl.pallas_call(
        _fused_layer_kernel,
        grid=(g,),
        in_specs=[
            pl.BlockSpec((2, BM, win), lambda i: (0, i, 0)),
            pl.BlockSpec((BM, 1), lambda i: (i, 0)),
            pl.BlockSpec((1, win), lambda i: (0, 0)),
            pl.BlockSpec(w.shape, lambda i: (0, 0)),
        ],
        out_specs=pl.BlockSpec((BM, w.shape[1]), lambda i: (i, 0)),
        out_shape=jax.ShapeDtypeStruct((N_PAD, w.shape[1]), jnp.float32),
    )(s, dinv, b, w)


def _mu_kernel(s_ref, dinv_ref, b_ref, o_ref):
    o_ref[...] = dinv_ref[...] * (s_ref[0][:, :Z] + s_ref[1][:, :Z]) + b_ref[...]


def _mu_combine(s, dinv, b):
    g = pl.cdiv(N_PAD, BM)
    return pl.pallas_call(
        _mu_kernel,
        grid=(g,),
        in_specs=[
            pl.BlockSpec((2, BM, 128), lambda i: (0, i, 0)),
            pl.BlockSpec((BM, 1), lambda i: (i, 0)),
            pl.BlockSpec((1, Z), lambda i: (0, 0)),
        ],
        out_specs=pl.BlockSpec((BM, Z), lambda i: (i, 0)),
        out_shape=jax.ShapeDtypeStruct((N_PAD, Z), jnp.float32),
    )(s, dinv, b)


BDM = 1024
BN = 2048


def _decoder_kernel(a_ref, b_ref, o_ref):
    p = lax.dot_general(a_ref[...], b_ref[...], (((1,), (1,)), ((), ())),
                        preferred_element_type=jnp.float32)
    o_ref[...] = 0.5 * jnp.tanh(0.5 * p) + 0.5


def _decoder(z):
    return pl.pallas_call(
        _decoder_kernel,
        grid=(pl.cdiv(N, BDM), pl.cdiv(N, BN)),
        in_specs=[
            pl.BlockSpec((BDM, Z), lambda i, j: (i, 0)),
            pl.BlockSpec((BN, Z), lambda i, j: (j, 0)),
        ],
        out_specs=pl.BlockSpec((BDM, BN), lambda i, j: (i, j)),
        out_shape=jax.ShapeDtypeStruct((N, N), jnp.float32),
    )(z, z)


def kernel(x, edge_index, W1, b1, W2, b2, Wmu, bmu, Wls, bls):
    del Wls, bls
    src = edge_index[0].astype(jnp.int32)
    dst = edge_index[1].astype(jnp.int32)

    npad = E_PAD - E
    pad_idx = (N + (jnp.arange(npad, dtype=jnp.int32) % 16))
    src_p = jnp.concatenate([src, pad_idx]).reshape(NW, NCHUNK, K)
    dst_p = jnp.concatenate([dst, pad_idx]).reshape(NW, NCHUNK, K)

    x_pad = jnp.pad(x, ((0, N_PAD - N), (0, 0)))
    zeros128 = jnp.zeros((N_PAD, 128), jnp.float32)
    ones128 = jnp.ones((K, 128), jnp.float32)
    Wmu_p = jnp.pad(Wmu, ((0, 0), (0, 128 - Z)))

    deg = _sc_deg(ones128, zeros128, dst_p)
    xw1 = _xw(x_pad, W1)
    dinv, u1 = _prep(deg[0][:, :1], deg[1][:, :1], xw1)

    s1 = _sc_scatter_128(u1, zeros128, src_p, dst_p)
    u2 = _fused_layer(s1, dinv, b1[None, :], W2)
    s2 = _sc_scatter_128(u2, zeros128, src_p, dst_p)
    u3 = _fused_layer(s2, dinv, b2[None, :], Wmu_p)
    s3 = _sc_scatter_128(u3, zeros128, src_p, dst_p)
    mu = _mu_combine(s3, dinv, bmu[None, :])
    return _decoder(mu)

# --- scband reference (transcript-rebuilt; emitter-appended) ---
"""Pipeline reference for scband-graph-model-2473901162945 (READ-ONLY COPY).

The authoritative reference and input builder live on the scoring server;
editing this copy changes nothing except your own understanding.
"""

import jax, jax.numpy as jnp
import numpy as np

N = 10000
E = 160000
F_IN = 128
H = 128
Z = 64


def _glorot(key, fan_in, fan_out):
    s = jnp.sqrt(6.0 / (fan_in + fan_out))
    return jax.random.uniform(key, (fan_in, fan_out), jnp.float32, -s, s)


def setup_inputs(seed: int = 0) -> dict:
    key = jax.random.key(seed)
    ks = jax.random.split(key, 8)
    x = jax.random.normal(ks[0], (N, F_IN), jnp.float32)
    edge_index = jax.random.randint(ks[1], (2, E), 0, N).astype(jnp.int64)
    return {
        'x': x,
        'edge_index': edge_index,
        'W1': _glorot(ks[2], F_IN, H),
        'b1': jnp.zeros((H,), jnp.float32),
        'W2': _glorot(ks[3], H, H),
        'b2': jnp.zeros((H,), jnp.float32),
        'Wmu': _glorot(ks[4], H, Z),
        'bmu': jnp.zeros((Z,), jnp.float32),
        'Wls': _glorot(ks[5], H, Z),
        'bls': jnp.zeros((Z,), jnp.float32),
    }


def _gcn_conv(x, W, b, src, dst, norm, n):
    # GCNConv: x @ W, then sym-normalized scatter-add aggregation over edges (incl. self loops), then bias
    xw = x @ W
    msg = norm[:, None] * jnp.take(xw, src, axis=0)
    out = jax.ops.segment_sum(msg, dst, num_segments=n)
    return out + b


def reference(x, edge_index, W1, b1, W2, b2, Wmu, bmu, Wls, bls):
    n = x.shape[0]
    loop = jnp.arange(n, dtype=edge_index.dtype)
    src = jnp.concatenate([edge_index[0], loop])
    dst = jnp.concatenate([edge_index[1], loop])
    deg = jax.ops.segment_sum(jnp.ones_like(dst, dtype=jnp.float32), dst, num_segments=n)
    dinv = jnp.where(deg > 0, 1.0 / jnp.sqrt(deg), 0.0)
    norm = dinv[src] * dinv[dst]
    # encoder: 2 GCN layers with ReLU (use_batch_norm=False)
    h = jax.nn.relu(_gcn_conv(x, W1, b1, src, dst, norm, n))
    h = jax.nn.relu(_gcn_conv(h, W2, b2, src, dst, norm, n))
    mu = _gcn_conv(h, Wmu, bmu, src, dst, norm, n)
    logstd = _gcn_conv(h, Wls, bls, src, dst, norm, n)
    # VGAE.encode in eval mode: z = mu (reparametrization noise only in training)
    z = mu
    # InnerProductDecoder.forward_all: sigmoid(z @ z.T)
    adj_pred = jax.nn.sigmoid(z @ z.T)
    return adj_pred

if __name__ == "__main__":
    import jax
    _d = setup_inputs()
    print(jax.jit(kernel)(*tuple(_d.values())))

</pallas_src>

<mosaic_0001>
#map = affine_map<(d0, d1) -> (0, 0)>
#map1 = affine_map<(d0, d1) -> (0, 0, 0)>
module attributes {stable_mosaic.version = 14 : i64} {
  func.func @_sc_scatter_body(%arg0: i32, %arg1: i32, %arg2: memref<10112x128xf32, #tpu.memory_space<hbm>>, %arg3: memref<10112x128xf32, #tpu.memory_space<hbm>>, %arg4: memref<32x81x64xi32, #tpu.memory_space<hbm>>, %arg5: memref<32x81x64xi32, #tpu.memory_space<hbm>>, %arg6: memref<2x10112x128xf32, #tpu.memory_space<hbm>>, %arg7: memref<10112x128xf32, #tpu.memory_space<vmem_shared>>, %arg8: memref<81x64xi32, #tpu.memory_space<vmem>>, %arg9: memref<81x64xi32, #tpu.memory_space<vmem>>, %arg10: memref<64x128xf32, #tpu.memory_space<vmem>>, %arg11: memref<64x128xf32, #tpu.memory_space<vmem>>, %arg12: memref<64x128xf32, #tpu.memory_space<vmem>>, %arg13: memref<!tpu.dma_semaphore, #tpu.memory_space<semaphore_mem>>, %arg14: memref<!tpu.dma_semaphore, #tpu.memory_space<semaphore_mem>>, %arg15: memref<!tpu.dma_semaphore, #tpu.memory_space<semaphore_mem>>, %arg16: memref<!tpu.dma_semaphore, #tpu.memory_space<semaphore_mem>>, %arg17: memref<!tpu.dma_semaphore, #tpu.memory_space<semaphore_mem>>, %arg18: memref<!tpu.dma_semaphore, #tpu.memory_space<semaphore_mem>>, %arg19: memref<!tpu.dma_semaphore, #tpu.memory_space<semaphore_mem>>, %arg20: memref<!tpu.dma_semaphore, #tpu.memory_space<semaphore_mem>>) attributes {dimension_semantics = [#tpu.dimension_semantics<core_parallel>, #tpu.dimension_semantics<subcore_parallel>], iteration_bounds = array<i64: 2, 16>, scalar_prefetch = 0 : i64, scratch_operands = 14 : i64, tpu.core_type = #tpu.core_type<sc_vector_subcore>, window_params = [{transform_indices = #map}, {transform_indices = #map}, {transform_indices = #map1}, {transform_indices = #map1}, {transform_indices = #map1}]} {
    %mul3A = arith.constant 2 : i32
    %mul3A_0 = arith.muli %arg1, %mul3A : i32
    %add3A = arith.addi %mul3A_0, %arg0 : i32
    %mul3A_1 = arith.constant 632 : i32
    %mul3A_2 = arith.muli %arg1, %mul3A_1 : i32
    %dma_start3A = arith.constant 0 : i32
    %dma_start3A_3 = arith.constant 0 : i32
    %dma_start3A_4 = tpu.memref_slice %arg4[%add3A, %dma_start3A, %dma_start3A_3] : memref<32x81x64xi32, #tpu.memory_space<hbm>> -> memref<1x81x64xi32, #tpu.memory_space<hbm>>
    %dma_start3A_5 = tpu.memref_squeeze %dma_start3A_4 : memref<1x81x64xi32, #tpu.memory_space<hbm>> -> memref<81x64xi32, #tpu.memory_space<hbm>>
    %dma_start3A_6 = arith.constant 0 : i32
    %dma_start3A_7 = arith.constant 0 : i32
    %dma_start3A_8 = tpu.memref_slice %arg4[%add3A, %dma_start3A_6, %dma_start3A_7] : memref<32x81x64xi32, #tpu.memory_space<hbm>> -> memref<1x81x64xi32, #tpu.memory_space<hbm>>
    %dma_start3A_9 = tpu.memref_squeeze %dma_start3A_8 : memref<1x81x64xi32, #tpu.memory_space<hbm>> -> memref<81x64xi32, #tpu.memory_space<hbm>>
    tpu.enqueue_dma source(%dma_start3A_9 : memref<81x64xi32, #tpu.memory_space<hbm>>) target(%arg8 : memref<81x64xi32, #tpu.memory_space<vmem>>) target_semaphore(%arg13 : memref<!tpu.dma_semaphore, #tpu.memory_space<semaphore_mem>>)
    %dma_start3A_10 = arith.constant 0 : i32
    %dma_start3A_11 = arith.constant 0 : i32
    %dma_start3A_12 = tpu.memref_slice %arg5[%add3A, %dma_start3A_10, %dma_start3A_11] : memref<32x81x64xi32, #tpu.memory_space<hbm>> -> memref<1x81x64xi32, #tpu.memory_space<hbm>>
    %dma_start3A_13 = tpu.memref_squeeze %dma_start3A_12 : memref<1x81x64xi32, #tpu.memory_space<hbm>> -> memref<81x64xi32, #tpu.memory_space<hbm>>
    %dma_start3A_14 = arith.constant 0 : i32
    %dma_start3A_15 = arith.constant 0 : i32
    %dma_start3A_16 = tpu.memref_slice %arg5[%add3A, %dma_start3A_14, %dma_start3A_15] : memref<32x81x64xi32, #tpu.memory_space<hbm>> -> memref<1x81x64xi32, #tpu.memory_space<hbm>>
    %dma_start3A_17 = tpu.memref_squeeze %dma_start3A_16 : memref<1x81x64xi32, #tpu.memory_space<hbm>> -> memref<81x64xi32, #tpu.memory_space<hbm>>
    tpu.enqueue_dma source(%dma_start3A_17 : memref<81x64xi32, #tpu.memory_space<hbm>>) target(%arg9 : memref<81x64xi32, #tpu.memory_space<vmem>>) target_semaphore(%arg13 : memref<!tpu.dma_semaphore, #tpu.memory_space<semaphore_mem>>)
    %eq3A = arith.constant 0 : i32
    %eq3A_18 = arith.cmpi eq, %arg0, %eq3A : i32
    %convert_element_type3A = arith.extui %eq3A_18 : i1 to i32
    %cond3A = arith.constant 0 : i32
    %cond3A_19 = arith.cmpi ne, %convert_element_type3A, %cond3A : i32
    scf.if %cond3A_19 {
      %dma_start3A_72 = arith.constant 0 : i32
      %dma_start3A_73 = tpu.memref_slice %arg7[%mul3A_2, %dma_start3A_72] : memref<10112x128xf32, #tpu.memory_space<vmem_shared>> -> memref<632x128xf32, #tpu.memory_space<vmem_shared>>
      %dma_start3A_74 = arith.constant 0 : i32
      %dma_start3A_75 = tpu.memref_slice %arg2[%mul3A_2, %dma_start3A_74] : memref<10112x128xf32, #tpu.memory_space<hbm>> -> memref<632x128xf32, #tpu.memory_space<hbm>>
      tpu.enqueue_dma source(%dma_start3A_75 : memref<632x128xf32, #tpu.memory_space<hbm>>) target(%dma_start3A_73 : memref<632x128xf32, #tpu.memory_space<vmem_shared>>) target_semaphore(%arg14 : memref<!tpu.dma_semaphore, #tpu.memory_space<semaphore_mem>>)
    } else {
    }
    %ne3A = arith.constant 0 : i32
    %ne3A_20 = arith.cmpi ne, %arg0, %ne3A : i32
    %convert_element_type3A_21 = arith.extui %ne3A_20 : i1 to i32
    %cond3A_22 = arith.constant 0 : i32
    %cond3A_23 = arith.cmpi ne, %convert_element_type3A_21, %cond3A_22 : i32
    scf.if %cond3A_23 {
      %dma_start3A_72 = arith.constant 0 : i32
      %dma_start3A_73 = tpu.memref_slice %arg7[%mul3A_2, %dma_start3A_72] : memref<10112x128xf32, #tpu.memory_space<vmem_shared>> -> memref<632x128xf32, #tpu.memory_space<vmem_shared>>
      %dma_start3A_74 = arith.constant 0 : i32
      %dma_start3A_75 = tpu.memref_slice %arg3[%mul3A_2, %dma_start3A_74] : memref<10112x128xf32, #tpu.memory_space<hbm>> -> memref<632x128xf32, #tpu.memory_space<hbm>>
      tpu.enqueue_dma source(%dma_start3A_75 : memref<632x128xf32, #tpu.memory_space<hbm>>) target(%dma_start3A_73 : memref<632x128xf32, #tpu.memory_space<vmem_shared>>) target_semaphore(%arg14 : memref<!tpu.dma_semaphore, #tpu.memory_space<semaphore_mem>>)
    } else {
    }
    %dma_wait3A = arith.constant 0 : i32
    %dma_wait3A_24 = arith.constant 0 : i32
    %dma_wait3A_25 = tpu.memref_slice %arg4[%add3A, %dma_wait3A, %dma_wait3A_24] : memref<32x81x64xi32, #tpu.memory_space<hbm>> -> memref<1x81x64xi32, #tpu.memory_space<hbm>>
    %dma_wait3A_26 = tpu.memref_squeeze %dma_wait3A_25 : memref<1x81x64xi32, #tpu.memory_space<hbm>> -> memref<81x64xi32, #tpu.memory_space<hbm>>
    %dma_wait3A_27 = arith.constant 0 : i32
    %dma_wait3A_28 = arith.constant 0 : i32
    %dma_wait3A_29 = tpu.memref_slice %arg4[%add3A, %dma_wait3A_27, %dma_wait3A_28] : memref<32x81x64xi32, #tpu.memory_space<hbm>> -> memref<1x81x64xi32, #tpu.memory_space<hbm>>
    %dma_wait3A_30 = tpu.memref_squeeze %dma_wait3A_29 : memref<1x81x64xi32, #tpu.memory_space<hbm>> -> memref<81x64xi32, #tpu.memory_space<hbm>>
    tpu.wait_dma2 semaphore(%arg13 : memref<!tpu.dma_semaphore, #tpu.memory_space<semaphore_mem>>) src(%dma_wait3A_30 : memref<81x64xi32, #tpu.memory_space<hbm>>) dst(%arg8 : memref<81x64xi32, #tpu.memory_space<vmem>>)
    %dma_wait3A_31 = arith.constant 0 : i32
    %dma_wait3A_32 = arith.constant 0 : i32
    %dma_wait3A_33 = tpu.memref_slice %arg5[%add3A, %dma_wait3A_31, %dma_wait3A_32] : memref<32x81x64xi32, #tpu.memory_space<hbm>> -> memref<1x81x64xi32, #tpu.memory_space<hbm>>
    %dma_wait3A_34 = tpu.memref_squeeze %dma_wait3A_33 : memref<1x81x64xi32, #tpu.memory_space<hbm>> -> memref<81x64xi32, #tpu.memory_space<hbm>>
    %dma_wait3A_35 = arith.constant 0 : i32
    %dma_wait3A_36 = arith.constant 0 : i32
    %dma_wait3A_37 = tpu.memref_slice %arg5[%add3A, %dma_wait3A_35, %dma_wait3A_36] : memref<32x81x64xi32, #tpu.memory_space<hbm>> -> memref<1x81x64xi32, #tpu.memory_space<hbm>>
    %dma_wait3A_38 = tpu.memref_squeeze %dma_wait3A_37 : memref<1x81x64xi32, #tpu.memory_space<hbm>> -> memref<81x64xi32, #tpu.memory_space<hbm>>
    tpu.wait_dma2 semaphore(%arg13 : memref<!tpu.dma_semaphore, #tpu.memory_space<semaphore_mem>>) src(%dma_wait3A_38 : memref<81x64xi32, #tpu.memory_space<hbm>>) dst(%arg9 : memref<81x64xi32, #tpu.memory_space<vmem>>)
    %dma_start3A_39 = arith.constant 0 : i32
    %dma_start3A_40 = arith.constant 0 : i32
    %dma_start3A_41 = tpu.memref_slice %arg8[%dma_start3A_39, %dma_start3A_40] : memref<81x64xi32, #tpu.memory_space<vmem>> -> memref<1x64xi32, #tpu.memory_space<vmem>>
    %dma_start3A_42 = tpu.memref_squeeze %dma_start3A_41 : memref<1x64xi32, #tpu.memory_space<vmem>> -> memref<64xi32, #tpu.memory_space<vmem>>
    %dma_start3A_43 = arith.constant 0 : i32
    %dma_start3A_44 = arith.constant 0 : i32
    %dma_start3A_45 = tpu.memref_slice %arg2[%dma_start3A_43, %dma_start3A_44] : memref<10112x128xf32, #tpu.memory_space<hbm>> -> memref<10112x128xf32, #tpu.memory_space<hbm>>
    tpu.enqueue_indirect_dma source(%dma_start3A_45 : memref<10112x128xf32, #tpu.memory_space<hbm>>) target(%arg10 : memref<64x128xf32, #tpu.memory_space<vmem>>) offsets(%dma_start3A_42 : memref<64xi32, #tpu.memory_space<vmem>>) semaphore(%arg15 : memref<!tpu.dma_semaphore, #tpu.memory_space<semaphore_mem>>)
    %dma_start3A_46 = arith.constant 1 : i32
    %dma_start3A_47 = arith.constant 0 : i32
    %dma_start3A_48 = tpu.memref_slice %arg8[%dma_start3A_46, %dma_start3A_47] : memref<81x64xi32, #tpu.memory_space<vmem>> -> memref<1x64xi32, #tpu.memory_space<vmem>>
    %dma_start3A_49 = tpu.memref_squeeze %dma_start3A_48 : memref<1x64xi32, #tpu.memory_space<vmem>> -> memref<64xi32, #tpu.memory_space<vmem>>
    %dma_start3A_50 = arith.constant 0 : i32
    %dma_start3A_51 = arith.constant 0 : i32
    %dma_start3A_52 = tpu.memref_slice %arg2[%dma_start3A_50, %dma_start3A_51] : memref<10112x128xf32, #tpu.memory_space<hbm>> -> memref<10112x128xf32, #tpu.memory_space<hbm>>
    tpu.enqueue_indirect_dma source(%dma_start3A_52 : memref<10112x128xf32, #tpu.memory_space<hbm>>) target(%arg11 : memref<64x128xf32, #tpu.memory_space<vmem>>) offsets(%dma_start3A_49 : memref<64xi32, #tpu.memory_space<vmem>>) semaphore(%arg16 : memref<!tpu.dma_semaphore, #tpu.memory_space<semaphore_mem>>)
    %dma_wait3A_53 = arith.constant 0 : i32
    %dma_wait3A_54 = arith.constant 0 : i32
    %dma_wait3A_55 = tpu.memref_slice %arg7[%dma_wait3A_53, %dma_wait3A_54] : memref<10112x128xf32, #tpu.memory_space<vmem_shared>> -> memref<632x128xf32, #tpu.memory_space<vmem_shared>>
    %dma_wait3A_56 = arith.constant 0 : i32
    %dma_wait3A_57 = arith.constant 0 : i32
    %dma_wait3A_58 = tpu.memref_slice %arg2[%dma_wait3A_56, %dma_wait3A_57] : memref<10112x128xf32, #tpu.memory_space<hbm>> -> memref<632x128xf32, #tpu.memory_space<hbm>>
    tpu.wait_dma2 semaphore(%arg14 : memref<!tpu.dma_semaphore, #tpu.memory_space<semaphore_mem>>) src(%dma_wait3A_58 : memref<632x128xf32, #tpu.memory_space<hbm>>) dst(%dma_wait3A_55 : memref<632x128xf32, #tpu.memory_space<vmem_shared>>)
    %barrier3A = arith.constant 0 : index
    tpu.barrier barrier_id(%barrier3A)
    %scan3A = arith.constant 0 : i32
    %scan3A_59 = arith.constant 0 : i32
    %scan3A_60 = arith.constant 27 : i32
    %scan3A_61 = arith.addi %scan3A_59, %scan3A_60 : i32
    %scan3A_62 = arith.constant 1 : i32
    scf.for %scan3A_72 = %scan3A_59 to %scan3A_61 step %scan3A_62  : i32 {
      %mul3A_73 = arith.constant 3 : i32
      %mul3A_74 = arith.muli %mul3A_73, %scan3A_72 : i32
      %add3A_75 = arith.constant 0 : i32
      %add3A_76 = arith.addi %mul3A_74, %add3A_75 : i32
      %dma_wait3A_77 = arith.constant 0 : i32
      %dma_wait3A_78 = arith.constant 0 : i32
      %dma_wait3A_79 = tpu.memref_slice %arg8[%dma_wait3A_77, %dma_wait3A_78] : memref<81x64xi32, #tpu.memory_space<vmem>> -> memref<1x64xi32, #tpu.memory_space<vmem>>
      %dma_wait3A_80 = tpu.memref_squeeze %dma_wait3A_79 : memref<1x64xi32, #tpu.memory_space<vmem>> -> memref<64xi32, #tpu.memory_space<vmem>>
      %dma_wait3A_81 = arith.constant 0 : i32
      %dma_wait3A_82 = arith.constant 0 : i32
      %dma_wait3A_83 = tpu.memref_slice %arg2[%dma_wait3A_81, %dma_wait3A_82] : memref<10112x128xf32, #tpu.memory_space<hbm>> -> memref<10112x128xf32, #tpu.memory_space<hbm>>
      tpu.wait_indirect_dma semaphore(%arg15 : memref<!tpu.dma_semaphore, #tpu.memory_space<semaphore_mem>>) src(%dma_wait3A_83 : memref<10112x128xf32, #tpu.memory_space<hbm>>) dst(%arg10 : memref<64x128xf32, #tpu.memory_space<vmem>>)
      %dma_start3A_84 = arith.constant 0 : i32
      %dma_start3A_85 = tpu.memref_slice %arg9[%add3A_76, %dma_start3A_84] : memref<81x64xi32, #tpu.memory_space<vmem>> -> memref<1x64xi32, #tpu.memory_space<vmem>>
      %dma_start3A_86 = tpu.memref_squeeze %dma_start3A_85 : memref<1x64xi32, #tpu.memory_space<vmem>> -> memref<64xi32, #tpu.memory_space<vmem>>
      %dma_start3A_87 = arith.constant 0 : i32
      %dma_start3A_88 = arith.constant 0 : i32
      %dma_start3A_89 = tpu.memref_slice %arg7[%dma_start3A_87, %dma_start3A_88] : memref<10112x128xf32, #tpu.memory_space<vmem_shared>> -> memref<10112x128xf32, #tpu.memory_space<vmem_shared>>
      tpu.enqueue_indirect_dma source(%arg10 : memref<64x128xf32, #tpu.memory_space<vmem>>) target(%dma_start3A_89 : memref<10112x128xf32, #tpu.memory_space<vmem_shared>>) offsets(%dma_start3A_86 : memref<64xi32, #tpu.memory_space<vmem>>) semaphore(%arg18 : memref<!tpu.dma_semaphore, #tpu.memory_space<semaphore_mem>>) {add = true}
      %gt3A = arith.constant 0 : i32
      %gt3A_90 = arith.cmpi sgt, %scan3A_72, %gt3A : i32
      %convert_element_type3A_91 = arith.extui %gt3A_90 : i1 to i32
      %cond3A_92 = arith.constant 0 : i32
      %cond3A_93 = arith.cmpi ne, %convert_element_type3A_91, %cond3A_92 : i32
      scf.if %cond3A_93 {
        %dma_wait3A_162 = arith.constant 0 : i32
        %dma_wait3A_163 = arith.constant 0 : i32
        %dma_wait3A_164 = tpu.memref_slice %arg9[%dma_wait3A_162, %dma_wait3A_163] : memref<81x64xi32, #tpu.memory_space<vmem>> -> memref<1x64xi32, #tpu.memory_space<vmem>>
        %dma_wait3A_165 = tpu.memref_squeeze %dma_wait3A_164 : memref<1x64xi32, #tpu.memory_space<vmem>> -> memref<64xi32, #tpu.memory_space<vmem>>
        %dma_wait3A_166 = arith.constant 0 : i32
        %dma_wait3A_167 = arith.constant 0 : i32
        %dma_wait3A_168 = tpu.memref_slice %arg7[%dma_wait3A_166, %dma_wait3A_167] : memref<10112x128xf32, #tpu.memory_space<vmem_shared>> -> memref<10112x128xf32, #tpu.memory_space<vmem_shared>>
        tpu.wait_indirect_dma semaphore(%arg20 : memref<!tpu.dma_semaphore, #tpu.memory_space<semaphore_mem>>) src(%arg12 : memref<64x128xf32, #tpu.memory_space<vmem>>) dst(%dma_wait3A_168 : memref<10112x128xf32, #tpu.memory_space<vmem_shared>>)
      } else {
      }
      %add3A_94 = arith.constant 2 : i32
      %add3A_95 = arith.addi %add3A_76, %add3A_94 : i32
      %lt3A = arith.constant 81 : i32
      %lt3A_96 = arith.cmpi slt, %add3A_95, %lt3A : i32
      %convert_element_type3A_97 = arith.extui %lt3A_96 : i1 to i32
      %cond3A_98 = arith.constant 0 : i32
      %cond3A_99 = arith.cmpi ne, %convert_element_type3A_97, %cond3A_98 : i32
      scf.if %cond3A_99 {
        %add3A_162 = arith.constant 2 : i32
        %add3A_163 = arith.addi %add3A_76, %add3A_162 : i32
        %dma_start3A_164 = arith.constant 0 : i32
        %dma_start3A_165 = tpu.memref_slice %arg8[%add3A_163, %dma_start3A_164] : memref<81x64xi32, #tpu.memory_space<vmem>> -> memref<1x64xi32, #tpu.memory_space<vmem>>
        %dma_start3A_166 = tpu.memref_squeeze %dma_start3A_165 : memref<1x64xi32, #tpu.memory_space<vmem>> -> memref<64xi32, #tpu.memory_space<vmem>>
        %dma_start3A_167 = arith.constant 0 : i32
        %dma_start3A_168 = arith.constant 0 : i32
        %dma_start3A_169 = tpu.memref_slice %arg2[%dma_start3A_167, %dma_start3A_168] : memref<10112x128xf32, #tpu.memory_space<hbm>> -> memref<10112x128xf32, #tpu.memory_space<hbm>>
        tpu.enqueue_indirect_dma source(%dma_start3A_169 : memref<10112x128xf32, #tpu.memory_space<hbm>>) target(%arg12 : memref<64x128xf32, #tpu.memory_space<vmem>>) offsets(%dma_start3A_166 : memref<64xi32, #tpu.memory_space<vmem>>) semaphore(%arg17 : memref<!tpu.dma_semaphore, #tpu.memory_space<semaphore_mem>>)
      } else {
      }
      %mul3A_100 = arith.constant 3 : i32
      %mul3A_101 = arith.muli %mul3A_100, %scan3A_72 : i32
      %add3A_102 = arith.constant 1 : i32
      %add3A_103 = arith.addi %mul3A_101, %add3A_102 : i32
      %dma_wait3A_104 = arith.constant 0 : i32
      %dma_wait3A_105 = arith.constant 0 : i32
      %dma_wait3A_106 = tpu.memref_slice %arg8[%dma_wait3A_104, %dma_wait3A_105] : memref<81x64xi32, #tpu.memory_space<vmem>> -> memref<1x64xi32, #tpu.memory_space<vmem>>
      %dma_wait3A_107 = tpu.memref_squeeze %dma_wait3A_106 : memref<1x64xi32, #tpu.memory_space<vmem>> -> memref<64xi32, #tpu.memory_space<vmem>>
      %dma_wait3A_108 = arith.constant 0 : i32
      %dma_wait3A_109 = arith.constant 0 : i32
      %dma_wait3A_110 = tpu.memref_slice %arg2[%dma_wait3A_108, %dma_wait3A_109] : memref<10112x128xf32, #tpu.memory_space<hbm>> -> memref<10112x128xf32, #tpu.memory_space<hbm>>
      tpu.wait_indirect_dma semaphore(%arg16 : memref<!tpu.dma_semaphore, #tpu.memory_space<semaphore_mem>>) src(%dma_wait3A_110 : memref<10112x128xf32, #tpu.memory_space<hbm>>) dst(%arg11 : memref<64x128xf32, #tpu.memory_space<vmem>>)
      %dma_start3A_111 = arith.constant 0 : i32
      %dma_start3A_112 = tpu.memref_slice %arg9[%add3A_103, %dma_start3A_111] : memref<81x64xi32, #tpu.memory_space<vmem>> -> memref<1x64xi32, #tpu.memory_space<vmem>>
      %dma_start3A_113 = tpu.memref_squeeze %dma_start3A_112 : memref<1x64xi32, #tpu.memory_space<vmem>> -> memref<64xi32, #tpu.memory_space<vmem>>
      %dma_start3A_114 = arith.constant 0 : i32
      %dma_start3A_115 = arith.constant 0 : i32
      %dma_start3A_116 = tpu.memref_slice %arg7[%dma_start3A_114, %dma_start3A_115] : memref<10112x128xf32, #tpu.memory_space<vmem_shared>> -> memref<10112x128xf32, #tpu.memory_space<vmem_shared>>
      tpu.enqueue_indirect_dma source(%arg11 : memref<64x128xf32, #tpu.memory_space<vmem>>) target(%dma_start3A_116 : memref<10112x128xf32, #tpu.memory_space<vmem_shared>>) offsets(%dma_start3A_113 : memref<64xi32, #tpu.memory_space<vmem>>) semaphore(%arg19 : memref<!tpu.dma_semaphore, #tpu.memory_space<semaphore_mem>>) {add = true}
      %dma_wait3A_117 = arith.constant 0 : i32
      %dma_wait3A_118 = arith.constant 0 : i32
      %dma_wait3A_119 = tpu.memref_slice %arg9[%dma_wait3A_117, %dma_wait3A_118] : memref<81x64xi32, #tpu.memory_space<vmem>> -> memref<1x64xi32, #tpu.memory_space<vmem>>
      %dma_wait3A_120 = tpu.memref_squeeze %dma_wait3A_119 : memref<1x64xi32, #tpu.memory_space<vmem>> -> memref<64xi32, #tpu.memory_space<vmem>>
      %dma_wait3A_121 = arith.constant 0 : i32
      %dma_wait3A_122 = arith.constant 0 : i32
      %dma_wait3A_123 = tpu.memref_slice %arg7[%dma_wait3A_121, %dma_wait3A_122] : memref<10112x128xf32, #tpu.memory_space<vmem_shared>> -> memref<10112x128xf32, #tpu.memory_space<vmem_shared>>
      tpu.wait_indirect_dma semaphore(%arg18 : memref<!tpu.dma_semaphore, #tpu.memory_space<semaphore_mem>>) src(%arg10 : memref<64x128xf32, #tpu.memory_space<vmem>>) dst(%dma_wait3A_123 : memref<10112x128xf32, #tpu.memory_space<vmem_shared>>)
      %add3A_124 = arith.constant 2 : i32
      %add3A_125 = arith.addi %add3A_103, %add3A_124 : i32
      %lt3A_126 = arith.constant 81 : i32
      %lt3A_127 = arith.cmpi slt, %add3A_125, %lt3A_126 : i32
      %convert_element_type3A_128 = arith.extui %lt3A_127 : i1 to i32
      %cond3A_129 = arith.constant 0 : i32
      %cond3A_130 = arith.cmpi ne, %convert_element_type3A_128, %cond3A_129 : i32
      scf.if %cond3A_130 {
        %add3A_162 = arith.constant 2 : i32
        %add3A_163 = arith.addi %add3A_103, %add3A_162 : i32
        %dma_start3A_164 = arith.constant 0 : i32
        %dma_start3A_165 = tpu.memref_slice %arg8[%add3A_163, %dma_start3A_164] : memref<81x64xi32, #tpu.memory_space<vmem>> -> memref<1x64xi32, #tpu.memory_space<vmem>>
        %dma_start3A_166 = tpu.memref_squeeze %dma_start3A_165 : memref<1x64xi32, #tpu.memory_space<vmem>> -> memref<64xi32, #tpu.memory_space<vmem>>
        %dma_start3A_167 = arith.constant 0 : i32
        %dma_start3A_168 = arith.constant 0 : i32
        %dma_start3A_169 = tpu.memref_slice %arg2[%dma_start3A_167, %dma_start3A_168] : memref<10112x128xf32, #tpu.memory_space<hbm>> -> memref<10112x128xf32, #tpu.memory_space<hbm>>
        tpu.enqueue_indirect_dma source(%dma_start3A_169 : memref<10112x128xf32, #tpu.memory_space<hbm>>) target(%arg10 : memref<64x128xf32, #tpu.memory_space<vmem>>) offsets(%dma_start3A_166 : memref<64xi32, #tpu.memory_space<vmem>>) semaphore(%arg15 : memref<!tpu.dma_semaphore, #tpu.memory_space<semaphore_mem>>)
      } else {
      }
      %mul3A_131 = arith.constant 3 : i32
      %mul3A_132 = arith.muli %mul3A_131, %scan3A_72 : i32
      %add3A_133 = arith.constant 2 : i32
      %add3A_134 = arith.addi %mul3A_132, %add3A_133 : i32
      %dma_wait3A_135 = arith.constant 0 : i32
      %dma_wait3A_136 = arith.constant 0 : i32
      %dma_wait3A_137 = tpu.memref_slice %arg8[%dma_wait3A_135, %dma_wait3A_136] : memref<81x64xi32, #tpu.memory_space<vmem>> -> memref<1x64xi32, #tpu.memory_space<vmem>>
      %dma_wait3A_138 = tpu.memref_squeeze %dma_wait3A_137 : memref<1x64xi32, #tpu.memory_space<vmem>> -> memref<64xi32, #tpu.memory_space<vmem>>
      %dma_wait3A_139 = arith.constant 0 : i32
      %dma_wait3A_140 = arith.constant 0 : i32
      %dma_wait3A_141 = tpu.memref_slice %arg2[%dma_wait3A_139, %dma_wait3A_140] : memref<10112x128xf32, #tpu.memory_space<hbm>> -> memref<10112x128xf32, #tpu.memory_space<hbm>>
      tpu.wait_indirect_dma semaphore(%arg17 : memref<!tpu.dma_semaphore, #tpu.memory_space<semaphore_mem>>) src(%dma_wait3A_141 : memref<10112x128xf32, #tpu.memory_space<hbm>>) dst(%arg12 : memref<64x128xf32, #tpu.memory_space<vmem>>)
      %dma_start3A_142 = arith.constant 0 : i32
      %dma_start3A_143 = tpu.memref_slice %arg9[%add3A_134, %dma_start3A_142] : memref<81x64xi32, #tpu.memory_space<vmem>> -> memref<1x64xi32, #tpu.memory_space<vmem>>
      %dma_start3A_144 = tpu.memref_squeeze %dma_start3A_143 : memref<1x64xi32, #tpu.memory_space<vmem>> -> memref<64xi32, #tpu.memory_space<vmem>>
      %dma_start3A_145 = arith.constant 0 : i32
      %dma_start3A_146 = arith.constant 0 : i32
      %dma_start3A_147 = tpu.memref_slice %arg7[%dma_start3A_145, %dma_start3A_146] : memref<10112x128xf32, #tpu.memory_space<vmem_shared>> -> memref<10112x128xf32, #tpu.memory_space<vmem_shared>>
      tpu.enqueue_indirect_dma source(%arg12 : memref<64x128xf32, #tpu.memory_space<vmem>>) target(%dma_start3A_147 : memref<10112x128xf32, #tpu.memory_space<vmem_shared>>) offsets(%dma_start3A_144 : memref<64xi32, #tpu.memory_space<vmem>>) semaphore(%arg20 : memref<!tpu.dma_semaphore, #tpu.memory_space<semaphore_mem>>) {add = true}
      %dma_wait3A_148 = arith.constant 0 : i32
      %dma_wait3A_149 = arith.constant 0 : i32
      %dma_wait3A_150 = tpu.memref_slice %arg9[%dma_wait3A_148, %dma_wait3A_149] : memref<81x64xi32, #tpu.memory_space<vmem>> -> memref<1x64xi32, #tpu.memory_space<vmem>>
      %dma_wait3A_151 = tpu.memref_squeeze %dma_wait3A_150 : memref<1x64xi32, #tpu.memory_space<vmem>> -> memref<64xi32, #tpu.memory_space<vmem>>
      %dma_wait3A_152 = arith.constant 0 : i32
      %dma_wait3A_153 = arith.constant 0 : i32
      %dma_wait3A_154 = tpu.memref_slice %arg7[%dma_wait3A_152, %dma_wait3A_153] : memref<10112x128xf32, #tpu.memory_space<vmem_shared>> -> memref<10112x128xf32, #tpu.memory_space<vmem_shared>>
      tpu.wait_indirect_dma semaphore(%arg19 : memref<!tpu.dma_semaphore, #tpu.memory_space<semaphore_mem>>) src(%arg11 : memref<64x128xf32, #tpu.memory_space<vmem>>) dst(%dma_wait3A_154 : memref<10112x128xf32, #tpu.memory_space<vmem_shared>>)
      %add3A_155 = arith.constant 2 : i32
      %add3A_156 = arith.addi %add3A_134, %add3A_155 : i32
      %lt3A_157 = arith.constant 81 : i32
      %lt3A_158 = arith.cmpi slt, %add3A_156, %lt3A_157 : i32
      %convert_element_type3A_159 = arith.extui %lt3A_158 : i1 to i32
      %cond3A_160 = arith.constant 0 : i32
      %cond3A_161 = arith.cmpi ne, %convert_element_type3A_159, %cond3A_160 : i32
      scf.if %cond3A_161 {
        %add3A_162 = arith.constant 2 : i32
        %add3A_163 = arith.addi %add3A_134, %add3A_162 : i32
        %dma_start3A_164 = arith.constant 0 : i32
        %dma_start3A_165 = tpu.memref_slice %arg8[%add3A_163, %dma_start3A_164] : memref<81x64xi32, #tpu.memory_space<vmem>> -> memref<1x64xi32, #tpu.memory_space<vmem>>
        %dma_start3A_166 = tpu.memref_squeeze %dma_start3A_165 : memref<1x64xi32, #tpu.memory_space<vmem>> -> memref<64xi32, #tpu.memory_space<vmem>>
        %dma_start3A_167 = arith.constant 0 : i32
        %dma_start3A_168 = arith.constant 0 : i32
        %dma_start3A_169 = tpu.memref_slice %arg2[%dma_start3A_167, %dma_start3A_168] : memref<10112x128xf32, #tpu.memory_space<hbm>> -> memref<10112x128xf32, #tpu.memory_space<hbm>>
        tpu.enqueue_indirect_dma source(%dma_start3A_169 : memref<10112x128xf32, #tpu.memory_space<hbm>>) target(%arg11 : memref<64x128xf32, #tpu.memory_space<vmem>>) offsets(%dma_start3A_166 : memref<64xi32, #tpu.memory_space<vmem>>) semaphore(%arg16 : memref<!tpu.dma_semaphore, #tpu.memory_space<semaphore_mem>>)
      } else {
      }
    }
    %scan3A_63 = arith.constant 27 : i32
    %dma_wait3A_64 = arith.constant 0 : i32
    %dma_wait3A_65 = arith.constant 0 : i32
    %dma_wait3A_66 = tpu.memref_slice %arg9[%dma_wait3A_64, %dma_wait3A_65] : memref<81x64xi32, #tpu.memory_space<vmem>> -> memref<1x64xi32, #tpu.memory_space<vmem>>
    %dma_wait3A_67 = tpu.memref_squeeze %dma_wait3A_66 : memref<1x64xi32, #tpu.memory_space<vmem>> -> memref<64xi32, #tpu.memory_space<vmem>>
    %dma_wait3A_68 = arith.constant 0 : i32
    %dma_wait3A_69 = arith.constant 0 : i32
    %dma_wait3A_70 = tpu.memref_slice %arg7[%dma_wait3A_68, %dma_wait3A_69] : memref<10112x128xf32, #tpu.memory_space<vmem_shared>> -> memref<10112x128xf32, #tpu.memory_space<vmem_shared>>
    tpu.wait_indirect_dma semaphore(%arg20 : memref<!tpu.dma_semaphore, #tpu.memory_space<semaphore_mem>>) src(%arg12 : memref<64x128xf32, #tpu.memory_space<vmem>>) dst(%dma_wait3A_70 : memref<10112x128xf32, #tpu.memory_space<vmem_shared>>)
    %barrier3A_71 = arith.constant 0 : index
    tpu.barrier barrier_id(%barrier3A_71)
    "tpu.region"() ({
      %run_scoped3A = tpu.sem_alloc : memref<!tpu.dma_semaphore, #tpu.memory_space<semaphore_mem>>
      %dma_start3A_72 = arith.constant 0 : i32
      %dma_start3A_73 = tpu.memref_slice %arg6[%arg0, %mul3A_2, %dma_start3A_72] : memref<2x10112x128xf32, #tpu.memory_space<hbm>> -> memref<1x632x128xf32, #tpu.memory_space<hbm>>
      %dma_start3A_74 = tpu.memref_squeeze %dma_start3A_73 : memref<1x632x128xf32, #tpu.memory_space<hbm>> -> memref<632x128xf32, #tpu.memory_space<hbm>>
      %dma_start3A_75 = arith.constant 0 : i32
      %dma_start3A_76 = tpu.memref_slice %arg7[%mul3A_2, %dma_start3A_75] : memref<10112x128xf32, #tpu.memory_space<vmem_shared>> -> memref<632x128xf32, #tpu.memory_space<vmem_shared>>
      tpu.enqueue_dma source(%dma_start3A_76 : memref<632x128xf32, #tpu.memory_space<vmem_shared>>) target(%dma_start3A_74 : memref<632x128xf32, #tpu.memory_space<hbm>>) target_semaphore(%run_scoped3A : memref<!tpu.dma_semaphore, #tpu.memory_space<semaphore_mem>>)
      %dma_wait3A_77 = arith.constant 0 : i32
      %dma_wait3A_78 = tpu.memref_slice %arg6[%arg0, %mul3A_2, %dma_wait3A_77] : memref<2x10112x128xf32, #tpu.memory_space<hbm>> -> memref<1x632x128xf32, #tpu.memory_space<hbm>>
      %dma_wait3A_79 = tpu.memref_squeeze %dma_wait3A_78 : memref<1x632x128xf32, #tpu.memory_space<hbm>> -> memref<632x128xf32, #tpu.memory_space<hbm>>
      %dma_wait3A_80 = arith.constant 0 : i32
      %dma_wait3A_81 = tpu.memref_slice %arg7[%mul3A_2, %dma_wait3A_80] : memref<10112x128xf32, #tpu.memory_space<vmem_shared>> -> memref<632x128xf32, #tpu.memory_space<vmem_shared>>
      tpu.wait_dma2 semaphore(%run_scoped3A : memref<!tpu.dma_semaphore, #tpu.memory_space<semaphore_mem>>) src(%dma_wait3A_81 : memref<632x128xf32, #tpu.memory_space<vmem_shared>>) dst(%dma_wait3A_79 : memref<632x128xf32, #tpu.memory_space<hbm>>)
      tpu.yield
    }) : () -> ()
    return
  }
}

#map = affine_map<(d0, d1) -> (0, 0)>
#map1 = affine_map<(d0, d1) -> (0, 0, 0)>
module attributes {stable_mosaic.version = 14 : i64} {
  func.func @_sc_deg_body(%arg0: i32, %arg1: i32, %arg2: memref<64x128xf32, #tpu.memory_space<hbm>>, %arg3: memref<10112x128xf32, #tpu.memory_space<hbm>>, %arg4: memref<32x81x64xi32, #tpu.memory_space<hbm>>, %arg5: memref<2x10112x128xf32, #tpu.memory_space<hbm>>, %arg6: memref<10112x128xf32, #tpu.memory_space<vmem_shared>>, %arg7: memref<81x64xi32, #tpu.memory_space<vmem>>, %arg8: memref<64x128xf32, #tpu.memory_space<vmem>>, %arg9: memref<!tpu.dma_semaphore, #tpu.memory_space<semaphore_mem>>) attributes {dimension_semantics = [#tpu.dimension_semantics<core_parallel>, #tpu.dimension_semantics<subcore_parallel>], iteration_bounds = array<i64: 2, 16>, scalar_prefetch = 0 : i64, scratch_operands = 4 : i64, tpu.core_type = #tpu.core_type<sc_vector_subcore>, window_params = [{transform_indices = #map}, {transform_indices = #map}, {transform_indices = #map1}, {transform_indices = #map1}]} {
    %mul3A = arith.constant 2 : i32
    %mul3A_0 = arith.muli %arg1, %mul3A : i32
    %add3A = arith.addi %mul3A_0, %arg0 : i32
    %mul3A_1 = arith.constant 632 : i32
    %mul3A_2 = arith.muli %arg1, %mul3A_1 : i32
    "tpu.region"() ({
      %run_scoped3A = tpu.sem_alloc : memref<!tpu.dma_semaphore, #tpu.memory_space<semaphore_mem>>
      %dma_start3A = arith.constant 0 : i32
      %dma_start3A_15 = arith.constant 0 : i32
      %dma_start3A_16 = tpu.memref_slice %arg4[%add3A, %dma_start3A, %dma_start3A_15] : memref<32x81x64xi32, #tpu.memory_space<hbm>> -> memref<1x81x64xi32, #tpu.memory_space<hbm>>
      %dma_start3A_17 = tpu.memref_squeeze %dma_start3A_16 : memref<1x81x64xi32, #tpu.memory_space<hbm>> -> memref<81x64xi32, #tpu.memory_space<hbm>>
      %dma_start3A_18 = arith.constant 0 : i32
      %dma_start3A_19 = arith.constant 0 : i32
      %dma_start3A_20 = tpu.memref_slice %arg4[%add3A, %dma_start3A_18, %dma_start3A_19] : memref<32x81x64xi32, #tpu.memory_space<hbm>> -> memref<1x81x64xi32, #tpu.memory_space<hbm>>
      %dma_start3A_21 = tpu.memref_squeeze %dma_start3A_20 : memref<1x81x64xi32, #tpu.memory_space<hbm>> -> memref<81x64xi32, #tpu.memory_space<hbm>>
      tpu.enqueue_dma source(%dma_start3A_21 : memref<81x64xi32, #tpu.memory_space<hbm>>) target(%arg7 : memref<81x64xi32, #tpu.memory_space<vmem>>) target_semaphore(%run_scoped3A : memref<!tpu.dma_semaphore, #tpu.memory_space<semaphore_mem>>)
      %dma_wait3A = arith.constant 0 : i32
      %dma_wait3A_22 = arith.constant 0 : i32
      %dma_wait3A_23 = tpu.memref_slice %arg4[%add3A, %dma_wait3A, %dma_wait3A_22] : memref<32x81x64xi32, #tpu.memory_space<hbm>> -> memref<1x81x64xi32, #tpu.memory_space<hbm>>
      %dma_wait3A_24 = tpu.memref_squeeze %dma_wait3A_23 : memref<1x81x64xi32, #tpu.memory_space<hbm>> -> memref<81x64xi32, #tpu.memory_space<hbm>>
      %dma_wait3A_25 = arith.constant 0 : i32
      %dma_wait3A_26 = arith.constant 0 : i32
      %dma_wait3A_27 = tpu.memref_slice %arg4[%add3A, %dma_wait3A_25, %dma_wait3A_26] : memref<32x81x64xi32, #tpu.memory_space<hbm>> -> memref<1x81x64xi32, #tpu.memory_space<hbm>>
      %dma_wait3A_28 = tpu.memref_squeeze %dma_wait3A_27 : memref<1x81x64xi32, #tpu.memory_space<hbm>> -> memref<81x64xi32, #tpu.memory_space<hbm>>
      tpu.wait_dma2 semaphore(%run_scoped3A : memref<!tpu.dma_semaphore, #tpu.memory_space<semaphore_mem>>) src(%dma_wait3A_28 : memref<81x64xi32, #tpu.memory_space<hbm>>) dst(%arg7 : memref<81x64xi32, #tpu.memory_space<vmem>>)
      tpu.yield
    }) : () -> ()
    "tpu.region"() ({
      %run_scoped3A = tpu.sem_alloc : memref<!tpu.dma_semaphore, #tpu.memory_space<semaphore_mem>>
      %dma_start3A = arith.constant 0 : i32
      %dma_start3A_15 = tpu.memref_slice %arg6[%mul3A_2, %dma_start3A] : memref<10112x128xf32, #tpu.memory_space<vmem_shared>> -> memref<632x128xf32, #tpu.memory_space<vmem_shared>>
      %dma_start3A_16 = arith.constant 0 : i32
      %dma_start3A_17 = tpu.memref_slice %arg3[%mul3A_2, %dma_start3A_16] : memref<10112x128xf32, #tpu.memory_space<hbm>> -> memref<632x128xf32, #tpu.memory_space<hbm>>
      tpu.enqueue_dma source(%dma_start3A_17 : memref<632x128xf32, #tpu.memory_space<hbm>>) target(%dma_start3A_15 : memref<632x128xf32, #tpu.memory_space<vmem_shared>>) target_semaphore(%run_scoped3A : memref<!tpu.dma_semaphore, #tpu.memory_space<semaphore_mem>>)
      %dma_wait3A = arith.constant 0 : i32
      %dma_wait3A_18 = tpu.memref_slice %arg6[%mul3A_2, %dma_wait3A] : memref<10112x128xf32, #tpu.memory_space<vmem_shared>> -> memref<632x128xf32, #tpu.memory_space<vmem_shared>>
      %dma_wait3A_19 = arith.constant 0 : i32
      %dma_wait3A_20 = tpu.memref_slice %arg3[%mul3A_2, %dma_wait3A_19] : memref<10112x128xf32, #tpu.memory_space<hbm>> -> memref<632x128xf32, #tpu.memory_space<hbm>>
      tpu.wait_dma2 semaphore(%run_scoped3A : memref<!tpu.dma_semaphore, #tpu.memory_space<semaphore_mem>>) src(%dma_wait3A_20 : memref<632x128xf32, #tpu.memory_space<hbm>>) dst(%dma_wait3A_18 : memref<632x128xf32, #tpu.memory_space<vmem_shared>>)
      tpu.yield
    }) : () -> ()
    "tpu.region"() ({
      %run_scoped3A = tpu.sem_alloc : memref<!tpu.dma_semaphore, #tpu.memory_space<semaphore_mem>>
      tpu.enqueue_dma source(%arg2 : memref<64x128xf32, #tpu.memory_space<hbm>>) target(%arg8 : memref<64x128xf32, #tpu.memory_space<vmem>>) target_semaphore(%run_scoped3A : memref<!tpu.dma_semaphore, #tpu.memory_space<semaphore_mem>>)
      tpu.wait_dma2 semaphore(%run_scoped3A : memref<!tpu.dma_semaphore, #tpu.memory_space<semaphore_mem>>) src(%arg2 : memref<64x128xf32, #tpu.memory_space<hbm>>) dst(%arg8 : memref<64x128xf32, #tpu.memory_space<vmem>>)
      tpu.yield
    }) : () -> ()
    %barrier3A = arith.constant 0 : index
    tpu.barrier barrier_id(%barrier3A)
    %scan3A = arith.constant 0 : i32
    %scan3A_3 = arith.constant 0 : i32
    %scan3A_4 = arith.constant 81 : i32
    %scan3A_5 = arith.addi %scan3A_3, %scan3A_4 : i32
    %scan3A_6 = arith.constant 1 : i32
    scf.for %scan3A_15 = %scan3A_3 to %scan3A_5 step %scan3A_6  : i32 {
      %dma_start3A = arith.constant 0 : i32
      %dma_start3A_16 = tpu.memref_slice %arg7[%scan3A_15, %dma_start3A] : memref<81x64xi32, #tpu.memory_space<vmem>> -> memref<1x64xi32, #tpu.memory_space<vmem>>
      %dma_start3A_17 = tpu.memref_squeeze %dma_start3A_16 : memref<1x64xi32, #tpu.memory_space<vmem>> -> memref<64xi32, #tpu.memory_space<vmem>>
      %dma_start3A_18 = arith.constant 0 : i32
      %dma_start3A_19 = arith.constant 0 : i32
      %dma_start3A_20 = tpu.memref_slice %arg6[%dma_start3A_18, %dma_start3A_19] : memref<10112x128xf32, #tpu.memory_space<vmem_shared>> -> memref<10112x128xf32, #tpu.memory_space<vmem_shared>>
      tpu.enqueue_indirect_dma source(%arg8 : memref<64x128xf32, #tpu.memory_space<vmem>>) target(%dma_start3A_20 : memref<10112x128xf32, #tpu.memory_space<vmem_shared>>) offsets(%dma_start3A_17 : memref<64xi32, #tpu.memory_space<vmem>>) semaphore(%arg9 : memref<!tpu.dma_semaphore, #tpu.memory_space<semaphore_mem>>) {add = true}
    }
    %scan3A_7 = arith.constant 81 : i32
    %scan3A_8 = arith.constant 0 : i32
    %scan3A_9 = arith.constant 0 : i32
    %scan3A_10 = arith.constant 81 : i32
    %scan3A_11 = arith.addi %scan3A_9, %scan3A_10 : i32
    %scan3A_12 = arith.constant 1 : i32
    scf.for %scan3A_15 = %scan3A_9 to %scan3A_11 step %scan3A_12  : i32 {
      %dma_wait3A = arith.constant 0 : i32
      %dma_wait3A_16 = arith.constant 0 : i32
      %dma_wait3A_17 = tpu.memref_slice %arg7[%dma_wait3A, %dma_wait3A_16] : memref<81x64xi32, #tpu.memory_space<vmem>> -> memref<1x64xi32, #tpu.memory_space<vmem>>
      %dma_wait3A_18 = tpu.memref_squeeze %dma_wait3A_17 : memref<1x64xi32, #tpu.memory_space<vmem>> -> memref<64xi32, #tpu.memory_space<vmem>>
      %dma_wait3A_19 = arith.constant 0 : i32
      %dma_wait3A_20 = arith.constant 0 : i32
      %dma_wait3A_21 = tpu.memref_slice %arg6[%dma_wait3A_19, %dma_wait3A_20] : memref<10112x128xf32, #tpu.memory_space<vmem_shared>> -> memref<10112x128xf32, #tpu.memory_space<vmem_shared>>
      tpu.wait_indirect_dma semaphore(%arg9 : memref<!tpu.dma_semaphore, #tpu.memory_space<semaphore_mem>>) src(%arg8 : memref<64x128xf32, #tpu.memory_space<vmem>>) dst(%dma_wait3A_21 : memref<10112x128xf32, #tpu.memory_space<vmem_shared>>)
    }
    %scan3A_13 = arith.constant 81 : i32
    %barrier3A_14 = arith.constant 0 : index
    tpu.barrier barrier_id(%barrier3A_14)
    "tpu.region"() ({
      %run_scoped3A = tpu.sem_alloc : memref<!tpu.dma_semaphore, #tpu.memory_space<semaphore_mem>>
      %dma_start3A = arith.constant 0 : i32
      %dma_start3A_15 = tpu.memref_slice %arg5[%arg0, %mul3A_2, %dma_start3A] : memref<2x10112x128xf32, #tpu.memory_space<hbm>> -> memref<1x632x128xf32, #tpu.memory_space<hbm>>
      %dma_start3A_16 = tpu.memref_squeeze %dma_start3A_15 : memref<1x632x128xf32, #tpu.memory_space<hbm>> -> memref<632x128xf32, #tpu.memory_space<hbm>>
      %dma_start3A_17 = arith.constant 0 : i32
      %dma_start3A_18 = tpu.memref_slice %arg6[%mul3A_2, %dma_start3A_17] : memref<10112x128xf32, #tpu.memory_space<vmem_shared>> -> memref<632x128xf32, #tpu.memory_space<vmem_shared>>
      tpu.enqueue_dma source(%dma_start3A_18 : memref<632x128xf32, #tpu.memory_space<vmem_shared>>) target(%dma_start3A_16 : memref<632x128xf32, #tpu.memory_space<hbm>>) target_semaphore(%run_scoped3A : memref<!tpu.dma_semaphore, #tpu.memory_space<semaphore_mem>>)
      %dma_wait3A = arith.constant 0 : i32
      %dma_wait3A_19 = tpu.memref_slice %arg5[%arg0, %mul3A_2, %dma_wait3A] : memref<2x10112x128xf32, #tpu.memory_space<hbm>> -> memref<1x632x128xf32, #tpu.memory_space<hbm>>
      %dma_wait3A_20 = tpu.memref_squeeze %dma_wait3A_19 : memref<1x632x128xf32, #tpu.memory_space<hbm>> -> memref<632x128xf32, #tpu.memory_space<hbm>>
      %dma_wait3A_21 = arith.constant 0 : i32
      %dma_wait3A_22 = tpu.memref_slice %arg6[%mul3A_2, %dma_wait3A_21] : memref<10112x128xf32, #tpu.memory_space<vmem_shared>> -> memref<632x128xf32, #tpu.memory_space<vmem_shared>>
      tpu.wait_dma2 semaphore(%run_scoped3A : memref<!tpu.dma_semaphore, #tpu.memory_space<semaphore_mem>>) src(%dma_wait3A_22 : memref<632x128xf32, #tpu.memory_space<vmem_shared>>) dst(%dma_wait3A_20 : memref<632x128xf32, #tpu.memory_space<hbm>>)
      tpu.yield
    }) : () -> ()
    return
  }
}

#map = affine_map<(d0, d1) -> (0, 0)>
#map1 = affine_map<(d0, d1) -> (0, 0, 0)>
module attributes {stable_mosaic.version = 14 : i64} {
  func.func @_sc_scatter_body(%arg0: i32, %arg1: i32, %arg2: memref<10112x128xf32, #tpu.memory_space<hbm>>, %arg3: memref<10112x128xf32, #tpu.memory_space<hbm>>, %arg4: memref<32x81x64xi32, #tpu.memory_space<hbm>>, %arg5: memref<32x81x64xi32, #tpu.memory_space<hbm>>, %arg6: memref<2x10112x128xf32, #tpu.memory_space<hbm>>, %arg7: memref<10112x128xf32, #tpu.memory_space<vmem_shared>>, %arg8: memref<81x64xi32, #tpu.memory_space<vmem>>, %arg9: memref<81x64xi32, #tpu.memory_space<vmem>>, %arg10: memref<64x128xf32, #tpu.memory_space<vmem>>, %arg11: memref<64x128xf32, #tpu.memory_space<vmem>>, %arg12: memref<64x128xf32, #tpu.memory_space<vmem>>, %arg13: memref<!tpu.dma_semaphore, #tpu.memory_space<semaphore_mem>>, %arg14: memref<!tpu.dma_semaphore, #tpu.memory_space<semaphore_mem>>, %arg15: memref<!tpu.dma_semaphore, #tpu.memory_space<semaphore_mem>>, %arg16: memref<!tpu.dma_semaphore, #tpu.memory_space<semaphore_mem>>, %arg17: memref<!tpu.dma_semaphore, #tpu.memory_space<semaphore_mem>>, %arg18: memref<!tpu.dma_semaphore, #tpu.memory_space<semaphore_mem>>, %arg19: memref<!tpu.dma_semaphore, #tpu.memory_space<semaphore_mem>>, %arg20: memref<!tpu.dma_semaphore, #tpu.memory_space<semaphore_mem>>) attributes {dimension_semantics = [#tpu.dimension_semantics<core_parallel>, #tpu.dimension_semantics<subcore_parallel>], iteration_bounds = array<i64: 2, 16>, scalar_prefetch = 0 : i64, scratch_operands = 14 : i64, tpu.core_type = #tpu.core_type<sc_vector_subcore>, window_params = [{transform_indices = #map}, {transform_indices = #map}, {transform_indices = #map1}, {transform_indices = #map1}, {transform_indices = #map1}]} {
    %mul3A = arith.constant 2 : i32
    %mul3A_0 = arith.muli %arg1, %mul3A : i32
    %add3A = arith.addi %mul3A_0, %arg0 : i32
    %mul3A_1 = arith.constant 632 : i32
    %mul3A_2 = arith.muli %arg1, %mul3A_1 : i32
    %dma_start3A = arith.constant 0 : i32
    %dma_start3A_3 = arith.constant 0 : i32
    %dma_start3A_4 = tpu.memref_slice %arg4[%add3A, %dma_start3A, %dma_start3A_3] : memref<32x81x64xi32, #tpu.memory_space<hbm>> -> memref<1x81x64xi32, #tpu.memory_space<hbm>>
    %dma_start3A_5 = tpu.memref_squeeze %dma_start3A_4 : memref<1x81x64xi32, #tpu.memory_space<hbm>> -> memref<81x64xi32, #tpu.memory_space<hbm>>
    %dma_start3A_6 = arith.constant 0 : i32
    %dma_start3A_7 = arith.constant 0 : i32
    %dma_start3A_8 = tpu.memref_slice %arg4[%add3A, %dma_start3A_6, %dma_start3A_7] : memref<32x81x64xi32, #tpu.memory_space<hbm>> -> memref<1x81x64xi32, #tpu.memory_space<hbm>>
    %dma_start3A_9 = tpu.memref_squeeze %dma_start3A_8 : memref<1x81x64xi32, #tpu.memory_space<hbm>> -> memref<81x64xi32, #tpu.memory_space<hbm>>
    tpu.enqueue_dma source(%dma_start3A_9 : memref<81x64xi32, #tpu.memory_space<hbm>>) target(%arg8 : memref<81x64xi32, #tpu.memory_space<vmem>>) target_semaphore(%arg13 : memref<!tpu.dma_semaphore, #tpu.memory_space<semaphore_mem>>)
    %dma_start3A_10 = arith.constant 0 : i32
    %dma_start3A_11 = arith.constant 0 : i32
    %dma_start3A_12 = tpu.memref_slice %arg5[%add3A, %dma_start3A_10, %dma_start3A_11] : memref<32x81x64xi32, #tpu.memory_space<hbm>> -> memref<1x81x64xi32, #tpu.memory_space<hbm>>
    %dma_start3A_13 = tpu.memref_squeeze %dma_start3A_12 : memref<1x81x64xi32, #tpu.memory_space<hbm>> -> memref<81x64xi32, #tpu.memory_space<hbm>>
    %dma_start3A_14 = arith.constant 0 : i32
    %dma_start3A_15 = arith.constant 0 : i32
    %dma_start3A_16 = tpu.memref_slice %arg5[%add3A, %dma_start3A_14, %dma_start3A_15] : memref<32x81x64xi32, #tpu.memory_space<hbm>> -> memref<1x81x64xi32, #tpu.memory_space<hbm>>
    %dma_start3A_17 = tpu.memref_squeeze %dma_start3A_16 : memref<1x81x64xi32, #tpu.memory_space<hbm>> -> memref<81x64xi32, #tpu.memory_space<hbm>>
    tpu.enqueue_dma source(%dma_start3A_17 : memref<81x64xi32, #tpu.memory_space<hbm>>) target(%arg9 : memref<81x64xi32, #tpu.memory_space<vmem>>) target_semaphore(%arg13 : memref<!tpu.dma_semaphore, #tpu.memory_space<semaphore_mem>>)
    %eq3A = arith.constant 0 : i32
    %eq3A_18 = arith.cmpi eq, %arg0, %eq3A : i32
    %convert_element_type3A = arith.extui %eq3A_18 : i1 to i32
    %cond3A = arith.constant 0 : i32
    %cond3A_19 = arith.cmpi ne, %convert_element_type3A, %cond3A : i32
    scf.if %cond3A_19 {
      %dma_start3A_72 = arith.constant 0 : i32
      %dma_start3A_73 = tpu.memref_slice %arg7[%mul3A_2, %dma_start3A_72] : memref<10112x128xf32, #tpu.memory_space<vmem_shared>> -> memref<632x128xf32, #tpu.memory_space<vmem_shared>>
      %dma_start3A_74 = arith.constant 0 : i32
      %dma_start3A_75 = tpu.memref_slice %arg2[%mul3A_2, %dma_start3A_74] : memref<10112x128xf32, #tpu.memory_space<hbm>> -> memref<632x128xf32, #tpu.memory_space<hbm>>
      tpu.enqueue_dma source(%dma_start3A_75 : memref<632x128xf32, #tpu.memory_space<hbm>>) target(%dma_start3A_73 : memref<632x128xf32, #tpu.memory_space<vmem_shared>>) target_semaphore(%arg14 : memref<!tpu.dma_semaphore, #tpu.memory_space<semaphore_mem>>)
    } else {
    }
    %ne3A = arith.constant 0 : i32
    %ne3A_20 = arith.cmpi ne, %arg0, %ne3A : i32
    %convert_element_type3A_21 = arith.extui %ne3A_20 : i1 to i32
    %cond3A_22 = arith.constant 0 : i32
    %cond3A_23 = arith.cmpi ne, %convert_element_type3A_21, %cond3A_22 : i32
    scf.if %cond3A_23 {
      %dma_start3A_72 = arith.constant 0 : i32
      %dma_start3A_73 = tpu.memref_slice %arg7[%mul3A_2, %dma_start3A_72] : memref<10112x128xf32, #tpu.memory_space<vmem_shared>> -> memref<632x128xf32, #tpu.memory_space<vmem_shared>>
      %dma_start3A_74 = arith.constant 0 : i32
      %dma_start3A_75 = tpu.memref_slice %arg3[%mul3A_2, %dma_start3A_74] : memref<10112x128xf32, #tpu.memory_space<hbm>> -> memref<632x128xf32, #tpu.memory_space<hbm>>
      tpu.enqueue_dma source(%dma_start3A_75 : memref<632x128xf32, #tpu.memory_space<hbm>>) target(%dma_start3A_73 : memref<632x128xf32, #tpu.memory_space<vmem_shared>>) target_semaphore(%arg14 : memref<!tpu.dma_semaphore, #tpu.memory_space<semaphore_mem>>)
    } else {
    }
    %dma_wait3A = arith.constant 0 : i32
    %dma_wait3A_24 = arith.constant 0 : i32
    %dma_wait3A_25 = tpu.memref_slice %arg4[%add3A, %dma_wait3A, %dma_wait3A_24] : memref<32x81x64xi32, #tpu.memory_space<hbm>> -> memref<1x81x64xi32, #tpu.memory_space<hbm>>
    %dma_wait3A_26 = tpu.memref_squeeze %dma_wait3A_25 : memref<1x81x64xi32, #tpu.memory_space<hbm>> -> memref<81x64xi32, #tpu.memory_space<hbm>>
    %dma_wait3A_27 = arith.constant 0 : i32
    %dma_wait3A_28 = arith.constant 0 : i32
    %dma_wait3A_29 = tpu.memref_slice %arg4[%add3A, %dma_wait3A_27, %dma_wait3A_28] : memref<32x81x64xi32, #tpu.memory_space<hbm>> -> memref<1x81x64xi32, #tpu.memory_space<hbm>>
    %dma_wait3A_30 = tpu.memref_squeeze %dma_wait3A_29 : memref<1x81x64xi32, #tpu.memory_space<hbm>> -> memref<81x64xi32, #tpu.memory_space<hbm>>
    tpu.wait_dma2 semaphore(%arg13 : memref<!tpu.dma_semaphore, #tpu.memory_space<semaphore_mem>>) src(%dma_wait3A_30 : memref<81x64xi32, #tpu.memory_space<hbm>>) dst(%arg8 : memref<81x64xi32, #tpu.memory_space<vmem>>)
    %dma_wait3A_31 = arith.constant 0 : i32
    %dma_wait3A_32 = arith.constant 0 : i32
    %dma_wait3A_33 = tpu.memref_slice %arg5[%add3A, %dma_wait3A_31, %dma_wait3A_32] : memref<32x81x64xi32, #tpu.memory_space<hbm>> -> memref<1x81x64xi32, #tpu.memory_space<hbm>>
    %dma_wait3A_34 = tpu.memref_squeeze %dma_wait3A_33 : memref<1x81x64xi32, #tpu.memory_space<hbm>> -> memref<81x64xi32, #tpu.memory_space<hbm>>
    %dma_wait3A_35 = arith.constant 0 : i32
    %dma_wait3A_36 = arith.constant 0 : i32
    %dma_wait3A_37 = tpu.memref_slice %arg5[%add3A, %dma_wait3A_35, %dma_wait3A_36] : memref<32x81x64xi32, #tpu.memory_space<hbm>> -> memref<1x81x64xi32, #tpu.memory_space<hbm>>
    %dma_wait3A_38 = tpu.memref_squeeze %dma_wait3A_37 : memref<1x81x64xi32, #tpu.memory_space<hbm>> -> memref<81x64xi32, #tpu.memory_space<hbm>>
    tpu.wait_dma2 semaphore(%arg13 : memref<!tpu.dma_semaphore, #tpu.memory_space<semaphore_mem>>) src(%dma_wait3A_38 : memref<81x64xi32, #tpu.memory_space<hbm>>) dst(%arg9 : memref<81x64xi32, #tpu.memory_space<vmem>>)
    %dma_start3A_39 = arith.constant 0 : i32
    %dma_start3A_40 = arith.constant 0 : i32
    %dma_start3A_41 = tpu.memref_slice %arg8[%dma_start3A_39, %dma_start3A_40] : memref<81x64xi32, #tpu.memory_space<vmem>> -> memref<1x64xi32, #tpu.memory_space<vmem>>
    %dma_start3A_42 = tpu.memref_squeeze %dma_start3A_41 : memref<1x64xi32, #tpu.memory_space<vmem>> -> memref<64xi32, #tpu.memory_space<vmem>>
    %dma_start3A_43 = arith.constant 0 : i32
    %dma_start3A_44 = arith.constant 0 : i32
    %dma_start3A_45 = tpu.memref_slice %arg2[%dma_start3A_43, %dma_start3A_44] : memref<10112x128xf32, #tpu.memory_space<hbm>> -> memref<10112x128xf32, #tpu.memory_space<hbm>>
    tpu.enqueue_indirect_dma source(%dma_start3A_45 : memref<10112x128xf32, #tpu.memory_space<hbm>>) target(%arg10 : memref<64x128xf32, #tpu.memory_space<vmem>>) offsets(%dma_start3A_42 : memref<64xi32, #tpu.memory_space<vmem>>) semaphore(%arg15 : memref<!tpu.dma_semaphore, #tpu.memory_space<semaphore_mem>>)
    %dma_start3A_46 = arith.constant 1 : i32
    %dma_start3A_47 = arith.constant 0 : i32
    %dma_start3A_48 = tpu.memref_slice %arg8[%dma_start3A_46, %dma_start3A_47] : memref<81x64xi32, #tpu.memory_space<vmem>> -> memref<1x64xi32, #tpu.memory_space<vmem>>
    %dma_start3A_49 = tpu.memref_squeeze %dma_start3A_48 : memref<1x64xi32, #tpu.memory_space<vmem>> -> memref<64xi32, #tpu.memory_space<vmem>>
    %dma_start3A_50 = arith.constant 0 : i32
    %dma_start3A_51 = arith.constant 0 : i32
    %dma_start3A_52 = tpu.memref_slice %arg2[%dma_start3A_50, %dma_start3A_51] : memref<10112x128xf32, #tpu.memory_space<hbm>> -> memref<10112x128xf32, #tpu.memory_space<hbm>>
    tpu.enqueue_indirect_dma source(%dma_start3A_52 : memref<10112x128xf32, #tpu.memory_space<hbm>>) target(%arg11 : memref<64x128xf32, #tpu.memory_space<vmem>>) offsets(%dma_start3A_49 : memref<64xi32, #tpu.memory_space<vmem>>) semaphore(%arg16 : memref<!tpu.dma_semaphore, #tpu.memory_space<semaphore_mem>>)
    %dma_wait3A_53 = arith.constant 0 : i32
    %dma_wait3A_54 = arith.constant 0 : i32
    %dma_wait3A_55 = tpu.memref_slice %arg7[%dma_wait3A_53, %dma_wait3A_54] : memref<10112x128xf32, #tpu.memory_space<vmem_shared>> -> memref<632x128xf32, #tpu.memory_space<vmem_shared>>
    %dma_wait3A_56 = arith.constant 0 : i32
    %dma_wait3A_57 = arith.constant 0 : i32
    %dma_wait3A_58 = tpu.memref_slice %arg2[%dma_wait3A_56, %dma_wait3A_57] : memref<10112x128xf32, #tpu.memory_space<hbm>> -> memref<632x128xf32, #tpu.memory_space<hbm>>
    tpu.wait_dma2 semaphore(%arg14 : memref<!tpu.dma_semaphore, #tpu.memory_space<semaphore_mem>>) src(%dma_wait3A_58 : memref<632x128xf32, #tpu.memory_space<hbm>>) dst(%dma_wait3A_55 : memref<632x128xf32, #tpu.memory_space<vmem_shared>>)
    %barrier3A = arith.constant 0 : index
    tpu.barrier barrier_id(%barrier3A)
    %scan3A = arith.constant 0 : i32
    %scan3A_59 = arith.constant 0 : i32
    %scan3A_60 = arith.constant 27 : i32
    %scan3A_61 = arith.addi %scan3A_59, %scan3A_60 : i32
    %scan3A_62 = arith.constant 1 : i32
    scf.for %scan3A_72 = %scan3A_59 to %scan3A_61 step %scan3A_62  : i32 {
      %mul3A_73 = arith.constant 3 : i32
      %mul3A_74 = arith.muli %mul3A_73, %scan3A_72 : i32
      %add3A_75 = arith.constant 0 : i32
      %add3A_76 = arith.addi %mul3A_74, %add3A_75 : i32
      %dma_wait3A_77 = arith.constant 0 : i32
      %dma_wait3A_78 = arith.constant 0 : i32
      %dma_wait3A_79 = tpu.memref_slice %arg8[%dma_wait3A_77, %dma_wait3A_78] : memref<81x64xi32, #tpu.memory_space<vmem>> -> memref<1x64xi32, #tpu.memory_space<vmem>>
      %dma_wait3A_80 = tpu.memref_squeeze %dma_wait3A_79 : memref<1x64xi32, #tpu.memory_space<vmem>> -> memref<64xi32, #tpu.memory_space<vmem>>
      %dma_wait3A_81 = arith.constant 0 : i32
      %dma_wait3A_82 = arith.constant 0 : i32
      %dma_wait3A_83 = tpu.memref_slice %arg2[%dma_wait3A_81, %dma_wait3A_82] : memref<10112x128xf32, #tpu.memory_space<hbm>> -> memref<10112x128xf32, #tpu.memory_space<hbm>>
      tpu.wait_indirect_dma semaphore(%arg15 : memref<!tpu.dma_semaphore, #tpu.memory_space<semaphore_mem>>) src(%dma_wait3A_83 : memref<10112x128xf32, #tpu.memory_space<hbm>>) dst(%arg10 : memref<64x128xf32, #tpu.memory_space<vmem>>)
      %dma_start3A_84 = arith.constant 0 : i32
      %dma_start3A_85 = tpu.memref_slice %arg9[%add3A_76, %dma_start3A_84] : memref<81x64xi32, #tpu.memory_space<vmem>> -> memref<1x64xi32, #tpu.memory_space<vmem>>
      %dma_start3A_86 = tpu.memref_squeeze %dma_start3A_85 : memref<1x64xi32, #tpu.memory_space<vmem>> -> memref<64xi32, #tpu.memory_space<vmem>>
      %dma_start3A_87 = arith.constant 0 : i32
      %dma_start3A_88 = arith.constant 0 : i32
      %dma_start3A_89 = tpu.memref_slice %arg7[%dma_start3A_87, %dma_start3A_88] : memref<10112x128xf32, #tpu.memory_space<vmem_shared>> -> memref<10112x128xf32, #tpu.memory_space<vmem_shared>>
      tpu.enqueue_indirect_dma source(%arg10 : memref<64x128xf32, #tpu.memory_space<vmem>>) target(%dma_start3A_89 : memref<10112x128xf32, #tpu.memory_space<vmem_shared>>) offsets(%dma_start3A_86 : memref<64xi32, #tpu.memory_space<vmem>>) semaphore(%arg18 : memref<!tpu.dma_semaphore, #tpu.memory_space<semaphore_mem>>) {add = true}
      %gt3A = arith.constant 0 : i32
      %gt3A_90 = arith.cmpi sgt, %scan3A_72, %gt3A : i32
      %convert_element_type3A_91 = arith.extui %gt3A_90 : i1 to i32
      %cond3A_92 = arith.constant 0 : i32
      %cond3A_93 = arith.cmpi ne, %convert_element_type3A_91, %cond3A_92 : i32
      scf.if %cond3A_93 {
        %dma_wait3A_162 = arith.constant 0 : i32
        %dma_wait3A_163 = arith.constant 0 : i32
        %dma_wait3A_164 = tpu.memref_slice %arg9[%dma_wait3A_162, %dma_wait3A_163] : memref<81x64xi32, #tpu.memory_space<vmem>> -> memref<1x64xi32, #tpu.memory_space<vmem>>
        %dma_wait3A_165 = tpu.memref_squeeze %dma_wait3A_164 : memref<1x64xi32, #tpu.memory_space<vmem>> -> memref<64xi32, #tpu.memory_space<vmem>>
        %dma_wait3A_166 = arith.constant 0 : i32
        %dma_wait3A_167 = arith.constant 0 : i32
        %dma_wait3A_168 = tpu.memref_slice %arg7[%dma_wait3A_166, %dma_wait3A_167] : memref<10112x128xf32, #tpu.memory_space<vmem_shared>> -> memref<10112x128xf32, #tpu.memory_space<vmem_shared>>
        tpu.wait_indirect_dma semaphore(%arg20 : memref<!tpu.dma_semaphore, #tpu.memory_space<semaphore_mem>>) src(%arg12 : memref<64x128xf32, #tpu.memory_space<vmem>>) dst(%dma_wait3A_168 : memref<10112x128xf32, #tpu.memory_space<vmem_shared>>)
      } else {
      }
      %add3A_94 = arith.constant 2 : i32
      %add3A_95 = arith.addi %add3A_76, %add3A_94 : i32
      %lt3A = arith.constant 81 : i32
      %lt3A_96 = arith.cmpi slt, %add3A_95, %lt3A : i32
      %convert_element_type3A_97 = arith.extui %lt3A_96 : i1 to i32
      %cond3A_98 = arith.constant 0 : i32
      %cond3A_99 = arith.cmpi ne, %convert_element_type3A_97, %cond3A_98 : i32
      scf.if %cond3A_99 {
        %add3A_162 = arith.constant 2 : i32
        %add3A_163 = arith.addi %add3A_76, %add3A_162 : i32
        %dma_start3A_164 = arith.constant 0 : i32
        %dma_start3A_165 = tpu.memref_slice %arg8[%add3A_163, %dma_start3A_164] : memref<81x64xi32, #tpu.memory_space<vmem>> -> memref<1x64xi32, #tpu.memory_space<vmem>>
        %dma_start3A_166 = tpu.memref_squeeze %dma_start3A_165 : memref<1x64xi32, #tpu.memory_space<vmem>> -> memref<64xi32, #tpu.memory_space<vmem>>
        %dma_start3A_167 = arith.constant 0 : i32
        %dma_start3A_168 = arith.constant 0 : i32
        %dma_start3A_169 = tpu.memref_slice %arg2[%dma_start3A_167, %dma_start3A_168] : memref<10112x128xf32, #tpu.memory_space<hbm>> -> memref<10112x128xf32, #tpu.memory_space<hbm>>
        tpu.enqueue_indirect_dma source(%dma_start3A_169 : memref<10112x128xf32, #tpu.memory_space<hbm>>) target(%arg12 : memref<64x128xf32, #tpu.memory_space<vmem>>) offsets(%dma_start3A_166 : memref<64xi32, #tpu.memory_space<vmem>>) semaphore(%arg17 : memref<!tpu.dma_semaphore, #tpu.memory_space<semaphore_mem>>)
      } else {
      }
      %mul3A_100 = arith.constant 3 : i32
      %mul3A_101 = arith.muli %mul3A_100, %scan3A_72 : i32
      %add3A_102 = arith.constant 1 : i32
      %add3A_103 = arith.addi %mul3A_101, %add3A_102 : i32
      %dma_wait3A_104 = arith.constant 0 : i32
      %dma_wait3A_105 = arith.constant 0 : i32
      %dma_wait3A_106 = tpu.memref_slice %arg8[%dma_wait3A_104, %dma_wait3A_105] : memref<81x64xi32, #tpu.memory_space<vmem>> -> memref<1x64xi32, #tpu.memory_space<vmem>>
      %dma_wait3A_107 = tpu.memref_squeeze %dma_wait3A_106 : memref<1x64xi32, #tpu.memory_space<vmem>> -> memref<64xi32, #tpu.memory_space<vmem>>
      %dma_wait3A_108 = arith.constant 0 : i32
      %dma_wait3A_109 = arith.constant 0 : i32
      %dma_wait3A_110 = tpu.memref_slice %arg2[%dma_wait3A_108, %dma_wait3A_109] : memref<10112x128xf32, #tpu.memory_space<hbm>> -> memref<10112x128xf32, #tpu.memory_space<hbm>>
      tpu.wait_indirect_dma semaphore(%arg16 : memref<!tpu.dma_semaphore, #tpu.memory_space<semaphore_mem>>) src(%dma_wait3A_110 : memref<10112x128xf32, #tpu.memory_space<hbm>>) dst(%arg11 : memref<64x128xf32, #tpu.memory_space<vmem>>)
      %dma_start3A_111 = arith.constant 0 : i32
      %dma_start3A_112 = tpu.memref_slice %arg9[%add3A_103, %dma_start3A_111] : memref<81x64xi32, #tpu.memory_space<vmem>> -> memref<1x64xi32, #tpu.memory_space<vmem>>
      %dma_start3A_113 = tpu.memref_squeeze %dma_start3A_112 : memref<1x64xi32, #tpu.memory_space<vmem>> -> memref<64xi32, #tpu.memory_space<vmem>>
      %dma_start3A_114 = arith.constant 0 : i32
      %dma_start3A_115 = arith.constant 0 : i32
      %dma_start3A_116 = tpu.memref_slice %arg7[%dma_start3A_114, %dma_start3A_115] : memref<10112x128xf32, #tpu.memory_space<vmem_shared>> -> memref<10112x128xf32, #tpu.memory_space<vmem_shared>>
      tpu.enqueue_indirect_dma source(%arg11 : memref<64x128xf32, #tpu.memory_space<vmem>>) target(%dma_start3A_116 : memref<10112x128xf32, #tpu.memory_space<vmem_shared>>) offsets(%dma_start3A_113 : memref<64xi32, #tpu.memory_space<vmem>>) semaphore(%arg19 : memref<!tpu.dma_semaphore, #tpu.memory_space<semaphore_mem>>) {add = true}
      %dma_wait3A_117 = arith.constant 0 : i32
      %dma_wait3A_118 = arith.constant 0 : i32
      %dma_wait3A_119 = tpu.memref_slice %arg9[%dma_wait3A_117, %dma_wait3A_118] : memref<81x64xi32, #tpu.memory_space<vmem>> -> memref<1x64xi32, #tpu.memory_space<vmem>>
      %dma_wait3A_120 = tpu.memref_squeeze %dma_wait3A_119 : memref<1x64xi32, #tpu.memory_space<vmem>> -> memref<64xi32, #tpu.memory_space<vmem>>
      %dma_wait3A_121 = arith.constant 0 : i32
      %dma_wait3A_122 = arith.constant 0 : i32
      %dma_wait3A_123 = tpu.memref_slice %arg7[%dma_wait3A_121, %dma_wait3A_122] : memref<10112x128xf32, #tpu.memory_space<vmem_shared>> -> memref<10112x128xf32, #tpu.memory_space<vmem_shared>>
      tpu.wait_indirect_dma semaphore(%arg18 : memref<!tpu.dma_semaphore, #tpu.memory_space<semaphore_mem>>) src(%arg10 : memref<64x128xf32, #tpu.memory_space<vmem>>) dst(%dma_wait3A_123 : memref<10112x128xf32, #tpu.memory_space<vmem_shared>>)
      %add3A_124 = arith.constant 2 : i32
      %add3A_125 = arith.addi %add3A_103, %add3A_124 : i32
      %lt3A_126 = arith.constant 81 : i32
      %lt3A_127 = arith.cmpi slt, %add3A_125, %lt3A_126 : i32
      %convert_element_type3A_128 = arith.extui %lt3A_127 : i1 to i32
      %cond3A_129 = arith.constant 0 : i32
      %cond3A_130 = arith.cmpi ne, %convert_element_type3A_128, %cond3A_129 : i32
      scf.if %cond3A_130 {
        %add3A_162 = arith.constant 2 : i32
        %add3A_163 = arith.addi %add3A_103, %add3A_162 : i32
        %dma_start3A_164 = arith.constant 0 : i32
        %dma_start3A_165 = tpu.memref_slice %arg8[%add3A_163, %dma_start3A_164] : memref<81x64xi32, #tpu.memory_space<vmem>> -> memref<1x64xi32, #tpu.memory_space<vmem>>
        %dma_start3A_166 = tpu.memref_squeeze %dma_start3A_165 : memref<1x64xi32, #tpu.memory_space<vmem>> -> memref<64xi32, #tpu.memory_space<vmem>>
        %dma_start3A_167 = arith.constant 0 : i32
        %dma_start3A_168 = arith.constant 0 : i32
        %dma_start3A_169 = tpu.memref_slice %arg2[%dma_start3A_167, %dma_start3A_168] : memref<10112x128xf32, #tpu.memory_space<hbm>> -> memref<10112x128xf32, #tpu.memory_space<hbm>>
        tpu.enqueue_indirect_dma source(%dma_start3A_169 : memref<10112x128xf32, #tpu.memory_space<hbm>>) target(%arg10 : memref<64x128xf32, #tpu.memory_space<vmem>>) offsets(%dma_start3A_166 : memref<64xi32, #tpu.memory_space<vmem>>) semaphore(%arg15 : memref<!tpu.dma_semaphore, #tpu.memory_space<semaphore_mem>>)
      } else {
      }
      %mul3A_131 = arith.constant 3 : i32
      %mul3A_132 = arith.muli %mul3A_131, %scan3A_72 : i32
      %add3A_133 = arith.constant 2 : i32
      %add3A_134 = arith.addi %mul3A_132, %add3A_133 : i32
      %dma_wait3A_135 = arith.constant 0 : i32
      %dma_wait3A_136 = arith.constant 0 : i32
      %dma_wait3A_137 = tpu.memref_slice %arg8[%dma_wait3A_135, %dma_wait3A_136] : memref<81x64xi32, #tpu.memory_space<vmem>> -> memref<1x64xi32, #tpu.memory_space<vmem>>
      %dma_wait3A_138 = tpu.memref_squeeze %dma_wait3A_137 : memref<1x64xi32, #tpu.memory_space<vmem>> -> memref<64xi32, #tpu.memory_space<vmem>>
      %dma_wait3A_139 = arith.constant 0 : i32
      %dma_wait3A_140 = arith.constant 0 : i32
      %dma_wait3A_141 = tpu.memref_slice %arg2[%dma_wait3A_139, %dma_wait3A_140] : memref<10112x128xf32, #tpu.memory_space<hbm>> -> memref<10112x128xf32, #tpu.memory_space<hbm>>
      tpu.wait_indirect_dma semaphore(%arg17 : memref<!tpu.dma_semaphore, #tpu.memory_space<semaphore_mem>>) src(%dma_wait3A_141 : memref<10112x128xf32, #tpu.memory_space<hbm>>) dst(%arg12 : memref<64x128xf32, #tpu.memory_space<vmem>>)
      %dma_start3A_142 = arith.constant 0 : i32
      %dma_start3A_143 = tpu.memref_slice %arg9[%add3A_134, %dma_start3A_142] : memref<81x64xi32, #tpu.memory_space<vmem>> -> memref<1x64xi32, #tpu.memory_space<vmem>>
      %dma_start3A_144 = tpu.memref_squeeze %dma_start3A_143 : memref<1x64xi32, #tpu.memory_space<vmem>> -> memref<64xi32, #tpu.memory_space<vmem>>
      %dma_start3A_145 = arith.constant 0 : i32
      %dma_start3A_146 = arith.constant 0 : i32
      %dma_start3A_147 = tpu.memref_slice %arg7[%dma_start3A_145, %dma_start3A_146] : memref<10112x128xf32, #tpu.memory_space<vmem_shared>> -> memref<10112x128xf32, #tpu.memory_space<vmem_shared>>
      tpu.enqueue_indirect_dma source(%arg12 : memref<64x128xf32, #tpu.memory_space<vmem>>) target(%dma_start3A_147 : memref<10112x128xf32, #tpu.memory_space<vmem_shared>>) offsets(%dma_start3A_144 : memref<64xi32, #tpu.memory_space<vmem>>) semaphore(%arg20 : memref<!tpu.dma_semaphore, #tpu.memory_space<semaphore_mem>>) {add = true}
      %dma_wait3A_148 = arith.constant 0 : i32
      %dma_wait3A_149 = arith.constant 0 : i32
      %dma_wait3A_150 = tpu.memref_slice %arg9[%dma_wait3A_148, %dma_wait3A_149] : memref<81x64xi32, #tpu.memory_space<vmem>> -> memref<1x64xi32, #tpu.memory_space<vmem>>
      %dma_wait3A_151 = tpu.memref_squeeze %dma_wait3A_150 : memref<1x64xi32, #tpu.memory_space<vmem>> -> memref<64xi32, #tpu.memory_space<vmem>>
      %dma_wait3A_152 = arith.constant 0 : i32
      %dma_wait3A_153 = arith.constant 0 : i32
      %dma_wait3A_154 = tpu.memref_slice %arg7[%dma_wait3A_152, %dma_wait3A_153] : memref<10112x128xf32, #tpu.memory_space<vmem_shared>> -> memref<10112x128xf32, #tpu.memory_space<vmem_shared>>
      tpu.wait_indirect_dma semaphore(%arg19 : memref<!tpu.dma_semaphore, #tpu.memory_space<semaphore_mem>>) src(%arg11 : memref<64x128xf32, #tpu.memory_space<vmem>>) dst(%dma_wait3A_154 : memref<10112x128xf32, #tpu.memory_space<vmem_shared>>)
      %add3A_155 = arith.constant 2 : i32
      %add3A_156 = arith.addi %add3A_134, %add3A_155 : i32
      %lt3A_157 = arith.constant 81 : i32
      %lt3A_158 = arith.cmpi slt, %add3A_156, %lt3A_157 : i32
      %convert_element_type3A_159 = arith.extui %lt3A_158 : i1 to i32
      %cond3A_160 = arith.constant 0 : i32
      %cond3A_161 = arith.cmpi ne, %convert_element_type3A_159, %cond3A_160 : i32
      scf.if %cond3A_161 {
        %add3A_162 = arith.constant 2 : i32
        %add3A_163 = arith.addi %add3A_134, %add3A_162 : i32
        %dma_start3A_164 = arith.constant 0 : i32
        %dma_start3A_165 = tpu.memref_slice %arg8[%add3A_163, %dma_start3A_164] : memref<81x64xi32, #tpu.memory_space<vmem>> -> memref<1x64xi32, #tpu.memory_space<vmem>>
        %dma_start3A_166 = tpu.memref_squeeze %dma_start3A_165 : memref<1x64xi32, #tpu.memory_space<vmem>> -> memref<64xi32, #tpu.memory_space<vmem>>
        %dma_start3A_167 = arith.constant 0 : i32
        %dma_start3A_168 = arith.constant 0 : i32
        %dma_start3A_169 = tpu.memref_slice %arg2[%dma_start3A_167, %dma_start3A_168] : memref<10112x128xf32, #tpu.memory_space<hbm>> -> memref<10112x128xf32, #tpu.memory_space<hbm>>
        tpu.enqueue_indirect_dma source(%dma_start3A_169 : memref<10112x128xf32, #tpu.memory_space<hbm>>) target(%arg11 : memref<64x128xf32, #tpu.memory_space<vmem>>) offsets(%dma_start3A_166 : memref<64xi32, #tpu.memory_space<vmem>>) semaphore(%arg16 : memref<!tpu.dma_semaphore, #tpu.memory_space<semaphore_mem>>)
      } else {
      }
    }
    %scan3A_63 = arith.constant 27 : i32
    %dma_wait3A_64 = arith.constant 0 : i32
    %dma_wait3A_65 = arith.constant 0 : i32
    %dma_wait3A_66 = tpu.memref_slice %arg9[%dma_wait3A_64, %dma_wait3A_65] : memref<81x64xi32, #tpu.memory_space<vmem>> -> memref<1x64xi32, #tpu.memory_space<vmem>>
    %dma_wait3A_67 = tpu.memref_squeeze %dma_wait3A_66 : memref<1x64xi32, #tpu.memory_space<vmem>> -> memref<64xi32, #tpu.memory_space<vmem>>
    %dma_wait3A_68 = arith.constant 0 : i32
    %dma_wait3A_69 = arith.constant 0 : i32
    %dma_wait3A_70 = tpu.memref_slice %arg7[%dma_wait3A_68, %dma_wait3A_69] : memref<10112x128xf32, #tpu.memory_space<vmem_shared>> -> memref<10112x128xf32, #tpu.memory_space<vmem_shared>>
    tpu.wait_indirect_dma semaphore(%arg20 : memref<!tpu.dma_semaphore, #tpu.memory_space<semaphore_mem>>) src(%arg12 : memref<64x128xf32, #tpu.memory_space<vmem>>) dst(%dma_wait3A_70 : memref<10112x128xf32, #tpu.memory_space<vmem_shared>>)
    %barrier3A_71 = arith.constant 0 : index
    tpu.barrier barrier_id(%barrier3A_71)
    "tpu.region"() ({
      %run_scoped3A = tpu.sem_alloc : memref<!tpu.dma_semaphore, #tpu.memory_space<semaphore_mem>>
      %dma_start3A_72 = arith.constant 0 : i32
      %dma_start3A_73 = tpu.memref_slice %arg6[%arg0, %mul3A_2, %dma_start3A_72] : memref<2x10112x128xf32, #tpu.memory_space<hbm>> -> memref<1x632x128xf32, #tpu.memory_space<hbm>>
      %dma_start3A_74 = tpu.memref_squeeze %dma_start3A_73 : memref<1x632x128xf32, #tpu.memory_space<hbm>> -> memref<632x128xf32, #tpu.memory_space<hbm>>
      %dma_start3A_75 = arith.constant 0 : i32
      %dma_start3A_76 = tpu.memref_slice %arg7[%mul3A_2, %dma_start3A_75] : memref<10112x128xf32, #tpu.memory_space<vmem_shared>> -> memref<632x128xf32, #tpu.memory_space<vmem_shared>>
      tpu.enqueue_dma source(%dma_start3A_76 : memref<632x128xf32, #tpu.memory_space<vmem_shared>>) target(%dma_start3A_74 : memref<632x128xf32, #tpu.memory_space<hbm>>) target_semaphore(%run_scoped3A : memref<!tpu.dma_semaphore, #tpu.memory_space<semaphore_mem>>)
      %dma_wait3A_77 = arith.constant 0 : i32
      %dma_wait3A_78 = tpu.memref_slice %arg6[%arg0, %mul3A_2, %dma_wait3A_77] : memref<2x10112x128xf32, #tpu.memory_space<hbm>> -> memref<1x632x128xf32, #tpu.memory_space<hbm>>
      %dma_wait3A_79 = tpu.memref_squeeze %dma_wait3A_78 : memref<1x632x128xf32, #tpu.memory_space<hbm>> -> memref<632x128xf32, #tpu.memory_space<hbm>>
      %dma_wait3A_80 = arith.constant 0 : i32
      %dma_wait3A_81 = tpu.memref_slice %arg7[%mul3A_2, %dma_wait3A_80] : memref<10112x128xf32, #tpu.memory_space<vmem_shared>> -> memref<632x128xf32, #tpu.memory_space<vmem_shared>>
      tpu.wait_dma2 semaphore(%run_scoped3A : memref<!tpu.dma_semaphore, #tpu.memory_space<semaphore_mem>>) src(%dma_wait3A_81 : memref<632x128xf32, #tpu.memory_space<vmem_shared>>) dst(%dma_wait3A_79 : memref<632x128xf32, #tpu.memory_space<hbm>>)
      tpu.yield
    }) : () -> ()
    return
  }
}

#map = affine_map<(d0, d1) -> (0, 0)>
#map1 = affine_map<(d0, d1) -> (0, 0, 0)>
module attributes {stable_mosaic.version = 14 : i64} {
  func.func @_sc_scatter_body(%arg0: i32, %arg1: i32, %arg2: memref<10112x128xf32, #tpu.memory_space<hbm>>, %arg3: memref<10112x128xf32, #tpu.memory_space<hbm>>, %arg4: memref<32x81x64xi32, #tpu.memory_space<hbm>>, %arg5: memref<32x81x64xi32, #tpu.memory_space<hbm>>, %arg6: memref<2x10112x128xf32, #tpu.memory_space<hbm>>, %arg7: memref<10112x128xf32, #tpu.memory_space<vmem_shared>>, %arg8: memref<81x64xi32, #tpu.memory_space<vmem>>, %arg9: memref<81x64xi32, #tpu.memory_space<vmem>>, %arg10: memref<64x128xf32, #tpu.memory_space<vmem>>, %arg11: memref<64x128xf32, #tpu.memory_space<vmem>>, %arg12: memref<64x128xf32, #tpu.memory_space<vmem>>, %arg13: memref<!tpu.dma_semaphore, #tpu.memory_space<semaphore_mem>>, %arg14: memref<!tpu.dma_semaphore, #tpu.memory_space<semaphore_mem>>, %arg15: memref<!tpu.dma_semaphore, #tpu.memory_space<semaphore_mem>>, %arg16: memref<!tpu.dma_semaphore, #tpu.memory_space<semaphore_mem>>, %arg17: memref<!tpu.dma_semaphore, #tpu.memory_space<semaphore_mem>>, %arg18: memref<!tpu.dma_semaphore, #tpu.memory_space<semaphore_mem>>, %arg19: memref<!tpu.dma_semaphore, #tpu.memory_space<semaphore_mem>>, %arg20: memref<!tpu.dma_semaphore, #tpu.memory_space<semaphore_mem>>) attributes {dimension_semantics = [#tpu.dimension_semantics<core_parallel>, #tpu.dimension_semantics<subcore_parallel>], iteration_bounds = array<i64: 2, 16>, scalar_prefetch = 0 : i64, scratch_operands = 14 : i64, tpu.core_type = #tpu.core_type<sc_vector_subcore>, window_params = [{transform_indices = #map}, {transform_indices = #map}, {transform_indices = #map1}, {transform_indices = #map1}, {transform_indices = #map1}]} {
    %mul3A = arith.constant 2 : i32
    %mul3A_0 = arith.muli %arg1, %mul3A : i32
    %add3A = arith.addi %mul3A_0, %arg0 : i32
    %mul3A_1 = arith.constant 632 : i32
    %mul3A_2 = arith.muli %arg1, %mul3A_1 : i32
    %dma_start3A = arith.constant 0 : i32
    %dma_start3A_3 = arith.constant 0 : i32
    %dma_start3A_4 = tpu.memref_slice %arg4[%add3A, %dma_start3A, %dma_start3A_3] : memref<32x81x64xi32, #tpu.memory_space<hbm>> -> memref<1x81x64xi32, #tpu.memory_space<hbm>>
    %dma_start3A_5 = tpu.memref_squeeze %dma_start3A_4 : memref<1x81x64xi32, #tpu.memory_space<hbm>> -> memref<81x64xi32, #tpu.memory_space<hbm>>
    %dma_start3A_6 = arith.constant 0 : i32
    %dma_start3A_7 = arith.constant 0 : i32
    %dma_start3A_8 = tpu.memref_slice %arg4[%add3A, %dma_start3A_6, %dma_start3A_7] : memref<32x81x64xi32, #tpu.memory_space<hbm>> -> memref<1x81x64xi32, #tpu.memory_space<hbm>>
    %dma_start3A_9 = tpu.memref_squeeze %dma_start3A_8 : memref<1x81x64xi32, #tpu.memory_space<hbm>> -> memref<81x64xi32, #tpu.memory_space<hbm>>
    tpu.enqueue_dma source(%dma_start3A_9 : memref<81x64xi32, #tpu.memory_space<hbm>>) target(%arg8 : memref<81x64xi32, #tpu.memory_space<vmem>>) target_semaphore(%arg13 : memref<!tpu.dma_semaphore, #tpu.memory_space<semaphore_mem>>)
    %dma_start3A_10 = arith.constant 0 : i32
    %dma_start3A_11 = arith.constant 0 : i32
    %dma_start3A_12 = tpu.memref_slice %arg5[%add3A, %dma_start3A_10, %dma_start3A_11] : memref<32x81x64xi32, #tpu.memory_space<hbm>> -> memref<1x81x64xi32, #tpu.memory_space<hbm>>
    %dma_start3A_13 = tpu.memref_squeeze %dma_start3A_12 : memref<1x81x64xi32, #tpu.memory_space<hbm>> -> memref<81x64xi32, #tpu.memory_space<hbm>>
    %dma_start3A_14 = arith.constant 0 : i32
    %dma_start3A_15 = arith.constant 0 : i32
    %dma_start3A_16 = tpu.memref_slice %arg5[%add3A, %dma_start3A_14, %dma_start3A_15] : memref<32x81x64xi32, #tpu.memory_space<hbm>> -> memref<1x81x64xi32, #tpu.memory_space<hbm>>
    %dma_start3A_17 = tpu.memref_squeeze %dma_start3A_16 : memref<1x81x64xi32, #tpu.memory_space<hbm>> -> memref<81x64xi32, #tpu.memory_space<hbm>>
    tpu.enqueue_dma source(%dma_start3A_17 : memref<81x64xi32, #tpu.memory_space<hbm>>) target(%arg9 : memref<81x64xi32, #tpu.memory_space<vmem>>) target_semaphore(%arg13 : memref<!tpu.dma_semaphore, #tpu.memory_space<semaphore_mem>>)
    %eq3A = arith.constant 0 : i32
    %eq3A_18 = arith.cmpi eq, %arg0, %eq3A : i32
    %convert_element_type3A = arith.extui %eq3A_18 : i1 to i32
    %cond3A = arith.constant 0 : i32
    %cond3A_19 = arith.cmpi ne, %convert_element_type3A, %cond3A : i32
    scf.if %cond3A_19 {
      %dma_start3A_72 = arith.constant 0 : i32
      %dma_start3A_73 = tpu.memref_slice %arg7[%mul3A_2, %dma_start3A_72] : memref<10112x128xf32, #tpu.memory_space<vmem_shared>> -> memref<632x128xf32, #tpu.memory_space<vmem_shared>>
      %dma_start3A_74 = arith.constant 0 : i32
      %dma_start3A_75 = tpu.memref_slice %arg2[%mul3A_2, %dma_start3A_74] : memref<10112x128xf32, #tpu.memory_space<hbm>> -> memref<632x128xf32, #tpu.memory_space<hbm>>
      tpu.enqueue_dma source(%dma_start3A_75 : memref<632x128xf32, #tpu.memory_space<hbm>>) target(%dma_start3A_73 : memref<632x128xf32, #tpu.memory_space<vmem_shared>>) target_semaphore(%arg14 : memref<!tpu.dma_semaphore, #tpu.memory_space<semaphore_mem>>)
    } else {
    }
    %ne3A = arith.constant 0 : i32
    %ne3A_20 = arith.cmpi ne, %arg0, %ne3A : i32
    %convert_element_type3A_21 = arith.extui %ne3A_20 : i1 to i32
    %cond3A_22 = arith.constant 0 : i32
    %cond3A_23 = arith.cmpi ne, %convert_element_type3A_21, %cond3A_22 : i32
    scf.if %cond3A_23 {
      %dma_start3A_72 = arith.constant 0 : i32
      %dma_start3A_73 = tpu.memref_slice %arg7[%mul3A_2, %dma_start3A_72] : memref<10112x128xf32, #tpu.memory_space<vmem_shared>> -> memref<632x128xf32, #tpu.memory_space<vmem_shared>>
      %dma_start3A_74 = arith.constant 0 : i32
      %dma_start3A_75 = tpu.memref_slice %arg3[%mul3A_2, %dma_start3A_74] : memref<10112x128xf32, #tpu.memory_space<hbm>> -> memref<632x128xf32, #tpu.memory_space<hbm>>
      tpu.enqueue_dma source(%dma_start3A_75 : memref<632x128xf32, #tpu.memory_space<hbm>>) target(%dma_start3A_73 : memref<632x128xf32, #tpu.memory_space<vmem_shared>>) target_semaphore(%arg14 : memref<!tpu.dma_semaphore, #tpu.memory_space<semaphore_mem>>)
    } else {
    }
    %dma_wait3A = arith.constant 0 : i32
    %dma_wait3A_24 = arith.constant 0 : i32
    %dma_wait3A_25 = tpu.memref_slice %arg4[%add3A, %dma_wait3A, %dma_wait3A_24] : memref<32x81x64xi32, #tpu.memory_space<hbm>> -> memref<1x81x64xi32, #tpu.memory_space<hbm>>
    %dma_wait3A_26 = tpu.memref_squeeze %dma_wait3A_25 : memref<1x81x64xi32, #tpu.memory_space<hbm>> -> memref<81x64xi32, #tpu.memory_space<hbm>>
    %dma_wait3A_27 = arith.constant 0 : i32
    %dma_wait3A_28 = arith.constant 0 : i32
    %dma_wait3A_29 = tpu.memref_slice %arg4[%add3A, %dma_wait3A_27, %dma_wait3A_28] : memref<32x81x64xi32, #tpu.memory_space<hbm>> -> memref<1x81x64xi32, #tpu.memory_space<hbm>>
    %dma_wait3A_30 = tpu.memref_squeeze %dma_wait3A_29 : memref<1x81x64xi32, #tpu.memory_space<hbm>> -> memref<81x64xi32, #tpu.memory_space<hbm>>
    tpu.wait_dma2 semaphore(%arg13 : memref<!tpu.dma_semaphore, #tpu.memory_space<semaphore_mem>>) src(%dma_wait3A_30 : memref<81x64xi32, #tpu.memory_space<hbm>>) dst(%arg8 : memref<81x64xi32, #tpu.memory_space<vmem>>)
    %dma_wait3A_31 = arith.constant 0 : i32
    %dma_wait3A_32 = arith.constant 0 : i32
    %dma_wait3A_33 = tpu.memref_slice %arg5[%add3A, %dma_wait3A_31, %dma_wait3A_32] : memref<32x81x64xi32, #tpu.memory_space<hbm>> -> memref<1x81x64xi32, #tpu.memory_space<hbm>>
    %dma_wait3A_34 = tpu.memref_squeeze %dma_wait3A_33 : memref<1x81x64xi32, #tpu.memory_space<hbm>> -> memref<81x64xi32, #tpu.memory_space<hbm>>
    %dma_wait3A_35 = arith.constant 0 : i32
    %dma_wait3A_36 = arith.constant 0 : i32
    %dma_wait3A_37 = tpu.memref_slice %arg5[%add3A, %dma_wait3A_35, %dma_wait3A_36] : memref<32x81x64xi32, #tpu.memory_space<hbm>> -> memref<1x81x64xi32, #tpu.memory_space<hbm>>
    %dma_wait3A_38 = tpu.memref_squeeze %dma_wait3A_37 : memref<1x81x64xi32, #tpu.memory_space<hbm>> -> memref<81x64xi32, #tpu.memory_space<hbm>>
    tpu.wait_dma2 semaphore(%arg13 : memref<!tpu.dma_semaphore, #tpu.memory_space<semaphore_mem>>) src(%dma_wait3A_38 : memref<81x64xi32, #tpu.memory_space<hbm>>) dst(%arg9 : memref<81x64xi32, #tpu.memory_space<vmem>>)
    %dma_start3A_39 = arith.constant 0 : i32
    %dma_start3A_40 = arith.constant 0 : i32
    %dma_start3A_41 = tpu.memref_slice %arg8[%dma_start3A_39, %dma_start3A_40] : memref<81x64xi32, #tpu.memory_space<vmem>> -> memref<1x64xi32, #tpu.memory_space<vmem>>
    %dma_start3A_42 = tpu.memref_squeeze %dma_start3A_41 : memref<1x64xi32, #tpu.memory_space<vmem>> -> memref<64xi32, #tpu.memory_space<vmem>>
    %dma_start3A_43 = arith.constant 0 : i32
    %dma_start3A_44 = arith.constant 0 : i32
    %dma_start3A_45 = tpu.memref_slice %arg2[%dma_start3A_43, %dma_start3A_44] : memref<10112x128xf32, #tpu.memory_space<hbm>> -> memref<10112x128xf32, #tpu.memory_space<hbm>>
    tpu.enqueue_indirect_dma source(%dma_start3A_45 : memref<10112x128xf32, #tpu.memory_space<hbm>>) target(%arg10 : memref<64x128xf32, #tpu.memory_space<vmem>>) offsets(%dma_start3A_42 : memref<64xi32, #tpu.memory_space<vmem>>) semaphore(%arg15 : memref<!tpu.dma_semaphore, #tpu.memory_space<semaphore_mem>>)
    %dma_start3A_46 = arith.constant 1 : i32
    %dma_start3A_47 = arith.constant 0 : i32
    %dma_start3A_48 = tpu.memref_slice %arg8[%dma_start3A_46, %dma_start3A_47] : memref<81x64xi32, #tpu.memory_space<vmem>> -> memref<1x64xi32, #tpu.memory_space<vmem>>
    %dma_start3A_49 = tpu.memref_squeeze %dma_start3A_48 : memref<1x64xi32, #tpu.memory_space<vmem>> -> memref<64xi32, #tpu.memory_space<vmem>>
    %dma_start3A_50 = arith.constant 0 : i32
    %dma_start3A_51 = arith.constant 0 : i32
    %dma_start3A_52 = tpu.memref_slice %arg2[%dma_start3A_50, %dma_start3A_51] : memref<10112x128xf32, #tpu.memory_space<hbm>> -> memref<10112x128xf32, #tpu.memory_space<hbm>>
    tpu.enqueue_indirect_dma source(%dma_start3A_52 : memref<10112x128xf32, #tpu.memory_space<hbm>>) target(%arg11 : memref<64x128xf32, #tpu.memory_space<vmem>>) offsets(%dma_start3A_49 : memref<64xi32, #tpu.memory_space<vmem>>) semaphore(%arg16 : memref<!tpu.dma_semaphore, #tpu.memory_space<semaphore_mem>>)
    %dma_wait3A_53 = arith.constant 0 : i32
    %dma_wait3A_54 = arith.constant 0 : i32
    %dma_wait3A_55 = tpu.memref_slice %arg7[%dma_wait3A_53, %dma_wait3A_54] : memref<10112x128xf32, #tpu.memory_space<vmem_shared>> -> memref<632x128xf32, #tpu.memory_space<vmem_shared>>
    %dma_wait3A_56 = arith.constant 0 : i32
    %dma_wait3A_57 = arith.constant 0 : i32
    %dma_wait3A_58 = tpu.memref_slice %arg2[%dma_wait3A_56, %dma_wait3A_57] : memref<10112x128xf32, #tpu.memory_space<hbm>> -> memref<632x128xf32, #tpu.memory_space<hbm>>
    tpu.wait_dma2 semaphore(%arg14 : memref<!tpu.dma_semaphore, #tpu.memory_space<semaphore_mem>>) src(%dma_wait3A_58 : memref<632x128xf32, #tpu.memory_space<hbm>>) dst(%dma_wait3A_55 : memref<632x128xf32, #tpu.memory_space<vmem_shared>>)
    %barrier3A = arith.constant 0 : index
    tpu.barrier barrier_id(%barrier3A)
    %scan3A = arith.constant 0 : i32
    %scan3A_59 = arith.constant 0 : i32
    %scan3A_60 = arith.constant 27 : i32
    %scan3A_61 = arith.addi %scan3A_59, %scan3A_60 : i32
    %scan3A_62 = arith.constant 1 : i32
    scf.for %scan3A_72 = %scan3A_59 to %scan3A_61 step %scan3A_62  : i32 {
      %mul3A_73 = arith.constant 3 : i32
      %mul3A_74 = arith.muli %mul3A_73, %scan3A_72 : i32
      %add3A_75 = arith.constant 0 : i32
      %add3A_76 = arith.addi %mul3A_74, %add3A_75 : i32
      %dma_wait3A_77 = arith.constant 0 : i32
      %dma_wait3A_78 = arith.constant 0 : i32
      %dma_wait3A_79 = tpu.memref_slice %arg8[%dma_wait3A_77, %dma_wait3A_78] : memref<81x64xi32, #tpu.memory_space<vmem>> -> memref<1x64xi32, #tpu.memory_space<vmem>>
      %dma_wait3A_80 = tpu.memref_squeeze %dma_wait3A_79 : memref<1x64xi32, #tpu.memory_space<vmem>> -> memref<64xi32, #tpu.memory_space<vmem>>
      %dma_wait3A_81 = arith.constant 0 : i32
      %dma_wait3A_82 = arith.constant 0 : i32
      %dma_wait3A_83 = tpu.memref_slice %arg2[%dma_wait3A_81, %dma_wait3A_82] : memref<10112x128xf32, #tpu.memory_space<hbm>> -> memref<10112x128xf32, #tpu.memory_space<hbm>>
      tpu.wait_indirect_dma semaphore(%arg15 : memref<!tpu.dma_semaphore, #tpu.memory_space<semaphore_mem>>) src(%dma_wait3A_83 : memref<10112x128xf32, #tpu.memory_space<hbm>>) dst(%arg10 : memref<64x128xf32, #tpu.memory_space<vmem>>)
      %dma_start3A_84 = arith.constant 0 : i32
      %dma_start3A_85 = tpu.memref_slice %arg9[%add3A_76, %dma_start3A_84] : memref<81x64xi32, #tpu.memory_space<vmem>> -> memref<1x64xi32, #tpu.memory_space<vmem>>
      %dma_start3A_86 = tpu.memref_squeeze %dma_start3A_85 : memref<1x64xi32, #tpu.memory_space<vmem>> -> memref<64xi32, #tpu.memory_space<vmem>>
      %dma_start3A_87 = arith.constant 0 : i32
      %dma_start3A_88 = arith.constant 0 : i32
      %dma_start3A_89 = tpu.memref_slice %arg7[%dma_start3A_87, %dma_start3A_88] : memref<10112x128xf32, #tpu.memory_space<vmem_shared>> -> memref<10112x128xf32, #tpu.memory_space<vmem_shared>>
      tpu.enqueue_indirect_dma source(%arg10 : memref<64x128xf32, #tpu.memory_space<vmem>>) target(%dma_start3A_89 : memref<10112x128xf32, #tpu.memory_space<vmem_shared>>) offsets(%dma_start3A_86 : memref<64xi32, #tpu.memory_space<vmem>>) semaphore(%arg18 : memref<!tpu.dma_semaphore, #tpu.memory_space<semaphore_mem>>) {add = true}
      %gt3A = arith.constant 0 : i32
      %gt3A_90 = arith.cmpi sgt, %scan3A_72, %gt3A : i32
      %convert_element_type3A_91 = arith.extui %gt3A_90 : i1 to i32
      %cond3A_92 = arith.constant 0 : i32
      %cond3A_93 = arith.cmpi ne, %convert_element_type3A_91, %cond3A_92 : i32
      scf.if %cond3A_93 {
        %dma_wait3A_162 = arith.constant 0 : i32
        %dma_wait3A_163 = arith.constant 0 : i32
        %dma_wait3A_164 = tpu.memref_slice %arg9[%dma_wait3A_162, %dma_wait3A_163] : memref<81x64xi32, #tpu.memory_space<vmem>> -> memref<1x64xi32, #tpu.memory_space<vmem>>
        %dma_wait3A_165 = tpu.memref_squeeze %dma_wait3A_164 : memref<1x64xi32, #tpu.memory_space<vmem>> -> memref<64xi32, #tpu.memory_space<vmem>>
        %dma_wait3A_166 = arith.constant 0 : i32
        %dma_wait3A_167 = arith.constant 0 : i32
        %dma_wait3A_168 = tpu.memref_slice %arg7[%dma_wait3A_166, %dma_wait3A_167] : memref<10112x128xf32, #tpu.memory_space<vmem_shared>> -> memref<10112x128xf32, #tpu.memory_space<vmem_shared>>
        tpu.wait_indirect_dma semaphore(%arg20 : memref<!tpu.dma_semaphore, #tpu.memory_space<semaphore_mem>>) src(%arg12 : memref<64x128xf32, #tpu.memory_space<vmem>>) dst(%dma_wait3A_168 : memref<10112x128xf32, #tpu.memory_space<vmem_shared>>)
      } else {
      }
      %add3A_94 = arith.constant 2 : i32
      %add3A_95 = arith.addi %add3A_76, %add3A_94 : i32
      %lt3A = arith.constant 81 : i32
      %lt3A_96 = arith.cmpi slt, %add3A_95, %lt3A : i32
      %convert_element_type3A_97 = arith.extui %lt3A_96 : i1 to i32
      %cond3A_98 = arith.constant 0 : i32
      %cond3A_99 = arith.cmpi ne, %convert_element_type3A_97, %cond3A_98 : i32
      scf.if %cond3A_99 {
        %add3A_162 = arith.constant 2 : i32
        %add3A_163 = arith.addi %add3A_76, %add3A_162 : i32
        %dma_start3A_164 = arith.constant 0 : i32
        %dma_start3A_165 = tpu.memref_slice %arg8[%add3A_163, %dma_start3A_164] : memref<81x64xi32, #tpu.memory_space<vmem>> -> memref<1x64xi32, #tpu.memory_space<vmem>>
        %dma_start3A_166 = tpu.memref_squeeze %dma_start3A_165 : memref<1x64xi32, #tpu.memory_space<vmem>> -> memref<64xi32, #tpu.memory_space<vmem>>
        %dma_start3A_167 = arith.constant 0 : i32
        %dma_start3A_168 = arith.constant 0 : i32
        %dma_start3A_169 = tpu.memref_slice %arg2[%dma_start3A_167, %dma_start3A_168] : memref<10112x128xf32, #tpu.memory_space<hbm>> -> memref<10112x128xf32, #tpu.memory_space<hbm>>
        tpu.enqueue_indirect_dma source(%dma_start3A_169 : memref<10112x128xf32, #tpu.memory_space<hbm>>) target(%arg12 : memref<64x128xf32, #tpu.memory_space<vmem>>) offsets(%dma_start3A_166 : memref<64xi32, #tpu.memory_space<vmem>>) semaphore(%arg17 : memref<!tpu.dma_semaphore, #tpu.memory_space<semaphore_mem>>)
      } else {
      }
      %mul3A_100 = arith.constant 3 : i32
      %mul3A_101 = arith.muli %mul3A_100, %scan3A_72 : i32
      %add3A_102 = arith.constant 1 : i32
      %add3A_103 = arith.addi %mul3A_101, %add3A_102 : i32
      %dma_wait3A_104 = arith.constant 0 : i32
      %dma_wait3A_105 = arith.constant 0 : i32
      %dma_wait3A_106 = tpu.memref_slice %arg8[%dma_wait3A_104, %dma_wait3A_105] : memref<81x64xi32, #tpu.memory_space<vmem>> -> memref<1x64xi32, #tpu.memory_space<vmem>>
      %dma_wait3A_107 = tpu.memref_squeeze %dma_wait3A_106 : memref<1x64xi32, #tpu.memory_space<vmem>> -> memref<64xi32, #tpu.memory_space<vmem>>
      %dma_wait3A_108 = arith.constant 0 : i32
      %dma_wait3A_109 = arith.constant 0 : i32
      %dma_wait3A_110 = tpu.memref_slice %arg2[%dma_wait3A_108, %dma_wait3A_109] : memref<10112x128xf32, #tpu.memory_space<hbm>> -> memref<10112x128xf32, #tpu.memory_space<hbm>>
      tpu.wait_indirect_dma semaphore(%arg16 : memref<!tpu.dma_semaphore, #tpu.memory_space<semaphore_mem>>) src(%dma_wait3A_110 : memref<10112x128xf32, #tpu.memory_space<hbm>>) dst(%arg11 : memref<64x128xf32, #tpu.memory_space<vmem>>)
      %dma_start3A_111 = arith.constant 0 : i32
      %dma_start3A_112 = tpu.memref_slice %arg9[%add3A_103, %dma_start3A_111] : memref<81x64xi32, #tpu.memory_space<vmem>> -> memref<1x64xi32, #tpu.memory_space<vmem>>
      %dma_start3A_113 = tpu.memref_squeeze %dma_start3A_112 : memref<1x64xi32, #tpu.memory_space<vmem>> -> memref<64xi32, #tpu.memory_space<vmem>>
      %dma_start3A_114 = arith.constant 0 : i32
      %dma_start3A_115 = arith.constant 0 : i32
      %dma_start3A_116 = tpu.memref_slice %arg7[%dma_start3A_114, %dma_start3A_115] : memref<10112x128xf32, #tpu.memory_space<vmem_shared>> -> memref<10112x128xf32, #tpu.memory_space<vmem_shared>>
      tpu.enqueue_indirect_dma source(%arg11 : memref<64x128xf32, #tpu.memory_space<vmem>>) target(%dma_start3A_116 : memref<10112x128xf32, #tpu.memory_space<vmem_shared>>) offsets(%dma_start3A_113 : memref<64xi32, #tpu.memory_space<vmem>>) semaphore(%arg19 : memref<!tpu.dma_semaphore, #tpu.memory_space<semaphore_mem>>) {add = true}
      %dma_wait3A_117 = arith.constant 0 : i32
      %dma_wait3A_118 = arith.constant 0 : i32
      %dma_wait3A_119 = tpu.memref_slice %arg9[%dma_wait3A_117, %dma_wait3A_118] : memref<81x64xi32, #tpu.memory_space<vmem>> -> memref<1x64xi32, #tpu.memory_space<vmem>>
      %dma_wait3A_120 = tpu.memref_squeeze %dma_wait3A_119 : memref<1x64xi32, #tpu.memory_space<vmem>> -> memref<64xi32, #tpu.memory_space<vmem>>
      %dma_wait3A_121 = arith.constant 0 : i32
      %dma_wait3A_122 = arith.constant 0 : i32
      %dma_wait3A_123 = tpu.memref_slice %arg7[%dma_wait3A_121, %dma_wait3A_122] : memref<10112x128xf32, #tpu.memory_space<vmem_shared>> -> memref<10112x128xf32, #tpu.memory_space<vmem_shared>>
      tpu.wait_indirect_dma semaphore(%arg18 : memref<!tpu.dma_semaphore, #tpu.memory_space<semaphore_mem>>) src(%arg10 : memref<64x128xf32, #tpu.memory_space<vmem>>) dst(%dma_wait3A_123 : memref<10112x128xf32, #tpu.memory_space<vmem_shared>>)
      %add3A_124 = arith.constant 2 : i32
      %add3A_125 = arith.addi %add3A_103, %add3A_124 : i32
      %lt3A_126 = arith.constant 81 : i32
      %lt3A_127 = arith.cmpi slt, %add3A_125, %lt3A_126 : i32
      %convert_element_type3A_128 = arith.extui %lt3A_127 : i1 to i32
      %cond3A_129 = arith.constant 0 : i32
      %cond3A_130 = arith.cmpi ne, %convert_element_type3A_128, %cond3A_129 : i32
      scf.if %cond3A_130 {
        %add3A_162 = arith.constant 2 : i32
        %add3A_163 = arith.addi %add3A_103, %add3A_162 : i32
        %dma_start3A_164 = arith.constant 0 : i32
        %dma_start3A_165 = tpu.memref_slice %arg8[%add3A_163, %dma_start3A_164] : memref<81x64xi32, #tpu.memory_space<vmem>> -> memref<1x64xi32, #tpu.memory_space<vmem>>
        %dma_start3A_166 = tpu.memref_squeeze %dma_start3A_165 : memref<1x64xi32, #tpu.memory_space<vmem>> -> memref<64xi32, #tpu.memory_space<vmem>>
        %dma_start3A_167 = arith.constant 0 : i32
        %dma_start3A_168 = arith.constant 0 : i32
        %dma_start3A_169 = tpu.memref_slice %arg2[%dma_start3A_167, %dma_start3A_168] : memref<10112x128xf32, #tpu.memory_space<hbm>> -> memref<10112x128xf32, #tpu.memory_space<hbm>>
        tpu.enqueue_indirect_dma source(%dma_start3A_169 : memref<10112x128xf32, #tpu.memory_space<hbm>>) target(%arg10 : memref<64x128xf32, #tpu.memory_space<vmem>>) offsets(%dma_start3A_166 : memref<64xi32, #tpu.memory_space<vmem>>) semaphore(%arg15 : memref<!tpu.dma_semaphore, #tpu.memory_space<semaphore_mem>>)
      } else {
      }
      %mul3A_131 = arith.constant 3 : i32
      %mul3A_132 = arith.muli %mul3A_131, %scan3A_72 : i32
      %add3A_133 = arith.constant 2 : i32
      %add3A_134 = arith.addi %mul3A_132, %add3A_133 : i32
      %dma_wait3A_135 = arith.constant 0 : i32
      %dma_wait3A_136 = arith.constant 0 : i32
      %dma_wait3A_137 = tpu.memref_slice %arg8[%dma_wait3A_135, %dma_wait3A_136] : memref<81x64xi32, #tpu.memory_space<vmem>> -> memref<1x64xi32, #tpu.memory_space<vmem>>
      %dma_wait3A_138 = tpu.memref_squeeze %dma_wait3A_137 : memref<1x64xi32, #tpu.memory_space<vmem>> -> memref<64xi32, #tpu.memory_space<vmem>>
      %dma_wait3A_139 = arith.constant 0 : i32
      %dma_wait3A_140 = arith.constant 0 : i32
      %dma_wait3A_141 = tpu.memref_slice %arg2[%dma_wait3A_139, %dma_wait3A_140] : memref<10112x128xf32, #tpu.memory_space<hbm>> -> memref<10112x128xf32, #tpu.memory_space<hbm>>
      tpu.wait_indirect_dma semaphore(%arg17 : memref<!tpu.dma_semaphore, #tpu.memory_space<semaphore_mem>>) src(%dma_wait3A_141 : memref<10112x128xf32, #tpu.memory_space<hbm>>) dst(%arg12 : memref<64x128xf32, #tpu.memory_space<vmem>>)
      %dma_start3A_142 = arith.constant 0 : i32
      %dma_start3A_143 = tpu.memref_slice %arg9[%add3A_134, %dma_start3A_142] : memref<81x64xi32, #tpu.memory_space<vmem>> -> memref<1x64xi32, #tpu.memory_space<vmem>>
      %dma_start3A_144 = tpu.memref_squeeze %dma_start3A_143 : memref<1x64xi32, #tpu.memory_space<vmem>> -> memref<64xi32, #tpu.memory_space<vmem>>
      %dma_start3A_145 = arith.constant 0 : i32
      %dma_start3A_146 = arith.constant 0 : i32
      %dma_start3A_147 = tpu.memref_slice %arg7[%dma_start3A_145, %dma_start3A_146] : memref<10112x128xf32, #tpu.memory_space<vmem_shared>> -> memref<10112x128xf32, #tpu.memory_space<vmem_shared>>
      tpu.enqueue_indirect_dma source(%arg12 : memref<64x128xf32, #tpu.memory_space<vmem>>) target(%dma_start3A_147 : memref<10112x128xf32, #tpu.memory_space<vmem_shared>>) offsets(%dma_start3A_144 : memref<64xi32, #tpu.memory_space<vmem>>) semaphore(%arg20 : memref<!tpu.dma_semaphore, #tpu.memory_space<semaphore_mem>>) {add = true}
      %dma_wait3A_148 = arith.constant 0 : i32
      %dma_wait3A_149 = arith.constant 0 : i32
      %dma_wait3A_150 = tpu.memref_slice %arg9[%dma_wait3A_148, %dma_wait3A_149] : memref<81x64xi32, #tpu.memory_space<vmem>> -> memref<1x64xi32, #tpu.memory_space<vmem>>
      %dma_wait3A_151 = tpu.memref_squeeze %dma_wait3A_150 : memref<1x64xi32, #tpu.memory_space<vmem>> -> memref<64xi32, #tpu.memory_space<vmem>>
      %dma_wait3A_152 = arith.constant 0 : i32
      %dma_wait3A_153 = arith.constant 0 : i32
      %dma_wait3A_154 = tpu.memref_slice %arg7[%dma_wait3A_152, %dma_wait3A_153] : memref<10112x128xf32, #tpu.memory_space<vmem_shared>> -> memref<10112x128xf32, #tpu.memory_space<vmem_shared>>
      tpu.wait_indirect_dma semaphore(%arg19 : memref<!tpu.dma_semaphore, #tpu.memory_space<semaphore_mem>>) src(%arg11 : memref<64x128xf32, #tpu.memory_space<vmem>>) dst(%dma_wait3A_154 : memref<10112x128xf32, #tpu.memory_space<vmem_shared>>)
      %add3A_155 = arith.constant 2 : i32
      %add3A_156 = arith.addi %add3A_134, %add3A_155 : i32
      %lt3A_157 = arith.constant 81 : i32
      %lt3A_158 = arith.cmpi slt, %add3A_156, %lt3A_157 : i32
      %convert_element_type3A_159 = arith.extui %lt3A_158 : i1 to i32
      %cond3A_160 = arith.constant 0 : i32
      %cond3A_161 = arith.cmpi ne, %convert_element_type3A_159, %cond3A_160 : i32
      scf.if %cond3A_161 {
        %add3A_162 = arith.constant 2 : i32
        %add3A_163 = arith.addi %add3A_134, %add3A_162 : i32
        %dma_start3A_164 = arith.constant 0 : i32
        %dma_start3A_165 = tpu.memref_slice %arg8[%add3A_163, %dma_start3A_164] : memref<81x64xi32, #tpu.memory_space<vmem>> -> memref<1x64xi32, #tpu.memory_space<vmem>>
        %dma_start3A_166 = tpu.memref_squeeze %dma_start3A_165 : memref<1x64xi32, #tpu.memory_space<vmem>> -> memref<64xi32, #tpu.memory_space<vmem>>
        %dma_start3A_167 = arith.constant 0 : i32
        %dma_start3A_168 = arith.constant 0 : i32
        %dma_start3A_169 = tpu.memref_slice %arg2[%dma_start3A_167, %dma_start3A_168] : memref<10112x128xf32, #tpu.memory_space<hbm>> -> memref<10112x128xf32, #tpu.memory_space<hbm>>
        tpu.enqueue_indirect_dma source(%dma_start3A_169 : memref<10112x128xf32, #tpu.memory_space<hbm>>) target(%arg11 : memref<64x128xf32, #tpu.memory_space<vmem>>) offsets(%dma_start3A_166 : memref<64xi32, #tpu.memory_space<vmem>>) semaphore(%arg16 : memref<!tpu.dma_semaphore, #tpu.memory_space<semaphore_mem>>)
      } else {
      }
    }
    %scan3A_63 = arith.constant 27 : i32
    %dma_wait3A_64 = arith.constant 0 : i32
    %dma_wait3A_65 = arith.constant 0 : i32
    %dma_wait3A_66 = tpu.memref_slice %arg9[%dma_wait3A_64, %dma_wait3A_65] : memref<81x64xi32, #tpu.memory_space<vmem>> -> memref<1x64xi32, #tpu.memory_space<vmem>>
    %dma_wait3A_67 = tpu.memref_squeeze %dma_wait3A_66 : memref<1x64xi32, #tpu.memory_space<vmem>> -> memref<64xi32, #tpu.memory_space<vmem>>
    %dma_wait3A_68 = arith.constant 0 : i32
    %dma_wait3A_69 = arith.constant 0 : i32
    %dma_wait3A_70 = tpu.memref_slice %arg7[%dma_wait3A_68, %dma_wait3A_69] : memref<10112x128xf32, #tpu.memory_space<vmem_shared>> -> memref<10112x128xf32, #tpu.memory_space<vmem_shared>>
    tpu.wait_indirect_dma semaphore(%arg20 : memref<!tpu.dma_semaphore, #tpu.memory_space<semaphore_mem>>) src(%arg12 : memref<64x128xf32, #tpu.memory_space<vmem>>) dst(%dma_wait3A_70 : memref<10112x128xf32, #tpu.memory_space<vmem_shared>>)
    %barrier3A_71 = arith.constant 0 : index
    tpu.barrier barrier_id(%barrier3A_71)
    "tpu.region"() ({
      %run_scoped3A = tpu.sem_alloc : memref<!tpu.dma_semaphore, #tpu.memory_space<semaphore_mem>>
      %dma_start3A_72 = arith.constant 0 : i32
      %dma_start3A_73 = tpu.memref_slice %arg6[%arg0, %mul3A_2, %dma_start3A_72] : memref<2x10112x128xf32, #tpu.memory_space<hbm>> -> memref<1x632x128xf32, #tpu.memory_space<hbm>>
      %dma_start3A_74 = tpu.memref_squeeze %dma_start3A_73 : memref<1x632x128xf32, #tpu.memory_space<hbm>> -> memref<632x128xf32, #tpu.memory_space<hbm>>
      %dma_start3A_75 = arith.constant 0 : i32
      %dma_start3A_76 = tpu.memref_slice %arg7[%mul3A_2, %dma_start3A_75] : memref<10112x128xf32, #tpu.memory_space<vmem_shared>> -> memref<632x128xf32, #tpu.memory_space<vmem_shared>>
      tpu.enqueue_dma source(%dma_start3A_76 : memref<632x128xf32, #tpu.memory_space<vmem_shared>>) target(%dma_start3A_74 : memref<632x128xf32, #tpu.memory_space<hbm>>) target_semaphore(%run_scoped3A : memref<!tpu.dma_semaphore, #tpu.memory_space<semaphore_mem>>)
      %dma_wait3A_77 = arith.constant 0 : i32
      %dma_wait3A_78 = tpu.memref_slice %arg6[%arg0, %mul3A_2, %dma_wait3A_77] : memref<2x10112x128xf32, #tpu.memory_space<hbm>> -> memref<1x632x128xf32, #tpu.memory_space<hbm>>
      %dma_wait3A_79 = tpu.memref_squeeze %dma_wait3A_78 : memref<1x632x128xf32, #tpu.memory_space<hbm>> -> memref<632x128xf32, #tpu.memory_space<hbm>>
      %dma_wait3A_80 = arith.constant 0 : i32
      %dma_wait3A_81 = tpu.memref_slice %arg7[%mul3A_2, %dma_wait3A_80] : memref<10112x128xf32, #tpu.memory_space<vmem_shared>> -> memref<632x128xf32, #tpu.memory_space<vmem_shared>>
      tpu.wait_dma2 semaphore(%run_scoped3A : memref<!tpu.dma_semaphore, #tpu.memory_space<semaphore_mem>>) src(%dma_wait3A_81 : memref<632x128xf32, #tpu.memory_space<vmem_shared>>) dst(%dma_wait3A_79 : memref<632x128xf32, #tpu.memory_space<hbm>>)
      tpu.yield
    }) : () -> ()
    return
  }
}

module attributes {stable_mosaic.version = 14 : i64} {
  func.func @_xw_kernel(%arg0: i32, %arg1: memref<2048x128xf32, #tpu.memory_space<vmem>>, %arg2: memref<128x128xf32, #tpu.memory_space<vmem>>, %arg3: memref<2048x128xf32, #tpu.memory_space<vmem>>) attributes {dimension_semantics = [#tpu.dimension_semantics<arbitrary>], iteration_bounds = array<i64: 5>, scalar_prefetch = 0 : i64, scratch_operands = 0 : i64, tpu.core_type = #tpu.core_type<tc>, window_params = [{transform_indices = @transform_0, window_bounds = array<i64: 2048, 128>}, {pipeline_mode = #tpu.pipeline_mode<synchronous>, transform_indices = @transform_1, window_bounds = array<i64: 128, 128>}, {transform_indices = @transform_2, window_bounds = array<i64: 2048, 128>}]} {
    %get3A = arith.constant 0 : index
    %get3A_0 = arith.constant 0 : index
    %get3A_1 = vector.load %arg1[%get3A, %get3A_0] : memref<2048x128xf32, #tpu.memory_space<vmem>>, vector<2048x128xf32>
    %get3A_2 = arith.constant 0 : index
    %get3A_3 = arith.constant 0 : index
    %get3A_4 = vector.load %arg2[%get3A_2, %get3A_3] : memref<128x128xf32, #tpu.memory_space<vmem>>, vector<128x128xf32>
    %dot_general3A = arith.constant dense<0.000000e+00> : vector<2048x128xf32>
    %dot_general3A_5 = tpu.matmul %get3A_1, %get3A_4, %dot_general3A {dimension_numbers = #tpu.dot_dimension_numbers<[1], [0], [0], [1], [0, 0, 1, 1], [], []>, transpose_lhs_hint = false} : vector<2048x128xf32>, vector<128x128xf32>, vector<2048x128xf32> -> vector<2048x128xf32>
    %swap3A = arith.constant 0 : index
    %swap3A_6 = arith.constant 0 : index
    %swap3A_7 = vector.load %arg3[%swap3A, %swap3A_6] : memref<2048x128xf32, #tpu.memory_space<vmem>>, vector<2048x128xf32>
    tpu.vector_store %arg3[%swap3A, %swap3A_6], %dot_general3A_5 {strides = array<i32>} : memref<2048x128xf32, #tpu.memory_space<vmem>>, vector<2048x128xf32>,
    return
  }
  func.func @transform_0(%arg0: i32) -> (i32, i32) {
    %c0_i32 = arith.constant 0 : i32
    %c0_i32_0 = arith.constant 0 : i32
    return %arg0, %c0_i32 : i32, i32
  }
  func.func @transform_1(%arg0: i32) -> (i32, i32) {
    %c0_i32 = arith.constant 0 : i32
    %c0_i32_0 = arith.constant 0 : i32
    %c0_i32_1 = arith.constant 0 : i32
    return %c0_i32, %c0_i32_0 : i32, i32
  }
  func.func @transform_2(%arg0: i32) -> (i32, i32) {
    %c0_i32 = arith.constant 0 : i32
    %c0_i32_0 = arith.constant 0 : i32
    return %arg0, %c0_i32 : i32, i32
  }
}

module attributes {stable_mosaic.version = 14 : i64} {
  func.func @_prep_kernel(%arg0: i32, %arg1: memref<2048x1xf32, #tpu.memory_space<vmem>>, %arg2: memref<2048x1xf32, #tpu.memory_space<vmem>>, %arg3: memref<2048x128xf32, #tpu.memory_space<vmem>>, %arg4: memref<2048x1xf32, #tpu.memory_space<vmem>>, %arg5: memref<2048x128xf32, #tpu.memory_space<vmem>>) attributes {dimension_semantics = [#tpu.dimension_semantics<arbitrary>], iteration_bounds = array<i64: 5>, scalar_prefetch = 0 : i64, scratch_operands = 0 : i64, tpu.core_type = #tpu.core_type<tc>, window_params = [{transform_indices = @transform_0, window_bounds = array<i64: 2048, 1>}, {transform_indices = @transform_1, window_bounds = array<i64: 2048, 1>}, {transform_indices = @transform_2, window_bounds = array<i64: 2048, 128>}, {transform_indices = @transform_3, window_bounds = array<i64: 2048, 1>}, {transform_indices = @transform_4, window_bounds = array<i64: 2048, 128>}]} {
    %get3A = arith.constant 0 : index
    %get3A_0 = arith.constant 0 : index
    %get3A_1 = vector.load %arg1[%get3A, %get3A_0] : memref<2048x1xf32, #tpu.memory_space<vmem>>, vector<2048x1xf32>
    %get3A_2 = arith.constant 0 : index
    %get3A_3 = arith.constant 0 : index
    %get3A_4 = vector.load %arg2[%get3A_2, %get3A_3] : memref<2048x1xf32, #tpu.memory_space<vmem>>, vector<2048x1xf32>
    %add3A = arith.addf %get3A_1, %get3A_4 : vector<2048x1xf32>
    %add3A_5 = arith.constant 1.000000e+00 : f32
    %add3A_6 = vector.broadcast %add3A_5 : f32 to vector<2048x1xf32>
    %add3A_7 = arith.addf %add3A, %add3A_6 : vector<2048x1xf32>
    %rsqrt3A = math.rsqrt %add3A_7 : vector<2048x1xf32>
    %swap3A = arith.constant 0 : index
    %swap3A_8 = arith.constant 0 : index
    %swap3A_9 = vector.load %arg4[%swap3A, %swap3A_8] : memref<2048x1xf32, #tpu.memory_space<vmem>>, vector<2048x1xf32>
    tpu.vector_store %arg4[%swap3A, %swap3A_8], %rsqrt3A {strides = array<i32>} : memref<2048x1xf32, #tpu.memory_space<vmem>>, vector<2048x1xf32>,
    %get3A_10 = arith.constant 0 : index
    %get3A_11 = arith.constant 0 : index
    %get3A_12 = vector.load %arg3[%get3A_10, %get3A_11] : memref<2048x128xf32, #tpu.memory_space<vmem>>, vector<2048x128xf32>
    %mul3A = vector.broadcast %rsqrt3A : vector<2048x1xf32> to vector<2048x128xf32>
    %mul3A_13 = arith.mulf %mul3A, %get3A_12 : vector<2048x128xf32>
    %swap3A_14 = arith.constant 0 : index
    %swap3A_15 = arith.constant 0 : index
    %swap3A_16 = vector.load %arg5[%swap3A_14, %swap3A_15] : memref<2048x128xf32, #tpu.memory_space<vmem>>, vector<2048x128xf32>
    tpu.vector_store %arg5[%swap3A_14, %swap3A_15], %mul3A_13 {strides = array<i32>} : memref<2048x128xf32, #tpu.memory_space<vmem>>, vector<2048x128xf32>,
    return
  }
  func.func @transform_0(%arg0: i32) -> (i32, i32) {
    %c0_i32 = arith.constant 0 : i32
    %c0_i32_0 = arith.constant 0 : i32
    return %arg0, %c0_i32 : i32, i32
  }
  func.func @transform_1(%arg0: i32) -> (i32, i32) {
    %c0_i32 = arith.constant 0 : i32
    %c0_i32_0 = arith.constant 0 : i32
    return %arg0, %c0_i32 : i32, i32
  }
  func.func @transform_2(%arg0: i32) -> (i32, i32) {
    %c0_i32 = arith.constant 0 : i32
    %c0_i32_0 = arith.constant 0 : i32
    return %arg0, %c0_i32 : i32, i32
  }
  func.func @transform_3(%arg0: i32) -> (i32, i32) {
    %c0_i32 = arith.constant 0 : i32
    %c0_i32_0 = arith.constant 0 : i32
    return %arg0, %c0_i32 : i32, i32
  }
  func.func @transform_4(%arg0: i32) -> (i32, i32) {
    %c0_i32 = arith.constant 0 : i32
    %c0_i32_0 = arith.constant 0 : i32
    return %arg0, %c0_i32 : i32, i32
  }
}

module attributes {stable_mosaic.version = 14 : i64} {
  func.func @_fused_layer_kernel(%arg0: i32, %arg1: memref<2x2048x128xf32, #tpu.memory_space<vmem>>, %arg2: memref<2048x1xf32, #tpu.memory_space<vmem>>, %arg3: memref<1x128xf32, #tpu.memory_space<vmem>>, %arg4: memref<128x128xf32, #tpu.memory_space<vmem>>, %arg5: memref<2048x128xf32, #tpu.memory_space<vmem>>) attributes {dimension_semantics = [#tpu.dimension_semantics<arbitrary>], iteration_bounds = array<i64: 5>, scalar_prefetch = 0 : i64, scratch_operands = 0 : i64, tpu.core_type = #tpu.core_type<tc>, window_params = [{transform_indices = @transform_0, window_bounds = array<i64: 2, 2048, 128>}, {transform_indices = @transform_1, window_bounds = array<i64: 2048, 1>}, {pipeline_mode = #tpu.pipeline_mode<synchronous>, transform_indices = @transform_2, window_bounds = array<i64: 1, 128>}, {pipeline_mode = #tpu.pipeline_mode<synchronous>, transform_indices = @transform_3, window_bounds = array<i64: 128, 128>}, {transform_indices = @transform_4, window_bounds = array<i64: 2048, 128>}]} {
    %get3A = arith.constant 0 : index
    %get3A_0 = arith.constant 0 : index
    %get3A_1 = vector.load %arg2[%get3A, %get3A_0] : memref<2048x1xf32, #tpu.memory_space<vmem>>, vector<2048x1xf32>
    %get3A_2 = arith.constant 0 : index
    %get3A_3 = arith.constant 0 : index
    %get3A_4 = arith.constant 0 : index
    %get3A_5 = vector.load %arg1[%get3A_2, %get3A_3, %get3A_4] : memref<2x2048x128xf32, #tpu.memory_space<vmem>>, vector<1x2048x128xf32>
    %get3A_6 = vector.shape_cast %get3A_5 : vector<1x2048x128xf32> to vector<2048x128xf32>
    %get3A_7 = arith.constant 1 : index
    %get3A_8 = arith.constant 0 : index
    %get3A_9 = arith.constant 0 : index
    %get3A_10 = vector.load %arg1[%get3A_7, %get3A_8, %get3A_9] : memref<2x2048x128xf32, #tpu.memory_space<vmem>>, vector<1x2048x128xf32>
    %get3A_11 = vector.shape_cast %get3A_10 : vector<1x2048x128xf32> to vector<2048x128xf32>
    %add3A = arith.addf %get3A_6, %get3A_11 : vector<2048x128xf32>
    %mul3A = vector.broadcast %get3A_1 : vector<2048x1xf32> to vector<2048x128xf32>
    %mul3A_12 = arith.mulf %mul3A, %add3A : vector<2048x128xf32>
    %get3A_13 = arith.constant 0 : index
    %get3A_14 = arith.constant 0 : index
    %get3A_15 = vector.load %arg3[%get3A_13, %get3A_14] : memref<1x128xf32, #tpu.memory_space<vmem>>, vector<1x128xf32>
    %add3A_16 = vector.broadcast %get3A_15 : vector<1x128xf32> to vector<2048x128xf32>
    %add3A_17 = arith.addf %mul3A_12, %add3A_16 : vector<2048x128xf32>
    %max3A = arith.constant 0.000000e+00 : f32
    %max3A_18 = vector.broadcast %max3A : f32 to vector<2048x128xf32>
    %max3A_19 = arith.maximumf %add3A_17, %max3A_18 : vector<2048x128xf32>
    %get3A_20 = arith.constant 0 : index
    %get3A_21 = arith.constant 0 : index
    %get3A_22 = vector.load %arg2[%get3A_20, %get3A_21] : memref<2048x1xf32, #tpu.memory_space<vmem>>, vector<2048x1xf32>
    %get3A_23 = arith.constant 0 : index
    %get3A_24 = arith.constant 0 : index
    %get3A_25 = vector.load %arg4[%get3A_23, %get3A_24] : memref<128x128xf32, #tpu.memory_space<vmem>>, vector<128x128xf32>
    %dot_general3A = arith.constant dense<0.000000e+00> : vector<2048x128xf32>
    %dot_general3A_26 = tpu.matmul %max3A_19, %get3A_25, %dot_general3A {dimension_numbers = #tpu.dot_dimension_numbers<[1], [0], [0], [1], [0, 0, 1, 1], [], []>, transpose_lhs_hint = false} : vector<2048x128xf32>, vector<128x128xf32>, vector<2048x128xf32> -> vector<2048x128xf32>
    %mul3A_27 = vector.broadcast %get3A_22 : vector<2048x1xf32> to vector<2048x128xf32>
    %mul3A_28 = arith.mulf %mul3A_27, %dot_general3A_26 : vector<2048x128xf32>
    %swap3A = arith.constant 0 : index
    %swap3A_29 = arith.constant 0 : index
    %swap3A_30 = vector.load %arg5[%swap3A, %swap3A_29] : memref<2048x128xf32, #tpu.memory_space<vmem>>, vector<2048x128xf32>
    tpu.vector_store %arg5[%swap3A, %swap3A_29], %mul3A_28 {strides = array<i32>} : memref<2048x128xf32, #tpu.memory_space<vmem>>, vector<2048x128xf32>,
    return
  }
  func.func @transform_0(%arg0: i32) -> (i32, i32, i32) {
    %c0_i32 = arith.constant 0 : i32
    %c0_i32_0 = arith.constant 0 : i32
    %c0_i32_1 = arith.constant 0 : i32
    return %c0_i32, %arg0, %c0_i32_0 : i32, i32, i32
  }
  func.func @transform_1(%arg0: i32) -> (i32, i32) {
    %c0_i32 = arith.constant 0 : i32
    %c0_i32_0 = arith.constant 0 : i32
    return %arg0, %c0_i32 : i32, i32
  }
  func.func @transform_2(%arg0: i32) -> (i32, i32) {
    %c0_i32 = arith.constant 0 : i32
    %c0_i32_0 = arith.constant 0 : i32
    %c0_i32_1 = arith.constant 0 : i32
    return %c0_i32, %c0_i32_0 : i32, i32
  }
  func.func @transform_3(%arg0: i32) -> (i32, i32) {
    %c0_i32 = arith.constant 0 : i32
    %c0_i32_0 = arith.constant 0 : i32
    %c0_i32_1 = arith.constant 0 : i32
    return %c0_i32, %c0_i32_0 : i32, i32
  }
  func.func @transform_4(%arg0: i32) -> (i32, i32) {
    %c0_i32 = arith.constant 0 : i32
    %c0_i32_0 = arith.constant 0 : i32
    return %arg0, %c0_i32 : i32, i32
  }
}

module attributes {stable_mosaic.version = 14 : i64} {
  func.func @_mu_kernel(%arg0: i32, %arg1: memref<2x2048x128xf32, #tpu.memory_space<vmem>>, %arg2: memref<2048x1xf32, #tpu.memory_space<vmem>>, %arg3: memref<1x64xf32, #tpu.memory_space<vmem>>, %arg4: memref<2048x64xf32, #tpu.memory_space<vmem>>) attributes {dimension_semantics = [#tpu.dimension_semantics<arbitrary>], iteration_bounds = array<i64: 5>, scalar_prefetch = 0 : i64, scratch_operands = 0 : i64, tpu.core_type = #tpu.core_type<tc>, window_params = [{transform_indices = @transform_0, window_bounds = array<i64: 2, 2048, 128>}, {transform_indices = @transform_1, window_bounds = array<i64: 2048, 1>}, {pipeline_mode = #tpu.pipeline_mode<synchronous>, transform_indices = @transform_2, window_bounds = array<i64: 1, 64>}, {transform_indices = @transform_3, window_bounds = array<i64: 2048, 64>}]} {
    %get3A = arith.constant 0 : index
    %get3A_0 = arith.constant 0 : index
    %get3A_1 = vector.load %arg2[%get3A, %get3A_0] : memref<2048x1xf32, #tpu.memory_space<vmem>>, vector<2048x1xf32>
    %get3A_2 = arith.constant 0 : index
    %get3A_3 = arith.constant 0 : index
    %get3A_4 = arith.constant 0 : index
    %get3A_5 = vector.load %arg1[%get3A_2, %get3A_3, %get3A_4] : memref<2x2048x128xf32, #tpu.memory_space<vmem>>, vector<1x2048x128xf32>
    %get3A_6 = vector.shape_cast %get3A_5 : vector<1x2048x128xf32> to vector<2048x128xf32>
    %slice3A = vector.extract_strided_slice %get3A_6 {offsets = [0, 0], sizes = [2048, 64], strides = [1, 1]} : vector<2048x128xf32> to vector<2048x64xf32>
    %get3A_7 = arith.constant 1 : index
    %get3A_8 = arith.constant 0 : index
    %get3A_9 = arith.constant 0 : index
    %get3A_10 = vector.load %arg1[%get3A_7, %get3A_8, %get3A_9] : memref<2x2048x128xf32, #tpu.memory_space<vmem>>, vector<1x2048x128xf32>
    %get3A_11 = vector.shape_cast %get3A_10 : vector<1x2048x128xf32> to vector<2048x128xf32>
    %slice3A_12 = vector.extract_strided_slice %get3A_11 {offsets = [0, 0], sizes = [2048, 64], strides = [1, 1]} : vector<2048x128xf32> to vector<2048x64xf32>
    %add3A = arith.addf %slice3A, %slice3A_12 : vector<2048x64xf32>
    %mul3A = vector.broadcast %get3A_1 : vector<2048x1xf32> to vector<2048x64xf32>
    %mul3A_13 = arith.mulf %mul3A, %add3A : vector<2048x64xf32>
    %get3A_14 = arith.constant 0 : index
    %get3A_15 = arith.constant 0 : index
    %get3A_16 = vector.load %arg3[%get3A_14, %get3A_15] : memref<1x64xf32, #tpu.memory_space<vmem>>, vector<1x64xf32>
    %add3A_17 = vector.broadcast %get3A_16 : vector<1x64xf32> to vector<2048x64xf32>
    %add3A_18 = arith.addf %mul3A_13, %add3A_17 : vector<2048x64xf32>
    %swap3A = arith.constant 0 : index
    %swap3A_19 = arith.constant 0 : index
    %swap3A_20 = vector.load %arg4[%swap3A, %swap3A_19] : memref<2048x64xf32, #tpu.memory_space<vmem>>, vector<2048x64xf32>
    tpu.vector_store %arg4[%swap3A, %swap3A_19], %add3A_18 {strides = array<i32>} : memref<2048x64xf32, #tpu.memory_space<vmem>>, vector<2048x64xf32>,
    return
  }
  func.func @transform_0(%arg0: i32) -> (i32, i32, i32) {
    %c0_i32 = arith.constant 0 : i32
    %c0_i32_0 = arith.constant 0 : i32
    %c0_i32_1 = arith.constant 0 : i32
    return %c0_i32, %arg0, %c0_i32_0 : i32, i32, i32
  }
  func.func @transform_1(%arg0: i32) -> (i32, i32) {
    %c0_i32 = arith.constant 0 : i32
    %c0_i32_0 = arith.constant 0 : i32
    return %arg0, %c0_i32 : i32, i32
  }
  func.func @transform_2(%arg0: i32) -> (i32, i32) {
    %c0_i32 = arith.constant 0 : i32
    %c0_i32_0 = arith.constant 0 : i32
    %c0_i32_1 = arith.constant 0 : i32
    return %c0_i32, %c0_i32_0 : i32, i32
  }
  func.func @transform_3(%arg0: i32) -> (i32, i32) {
    %c0_i32 = arith.constant 0 : i32
    %c0_i32_0 = arith.constant 0 : i32
    return %arg0, %c0_i32 : i32, i32
  }
}

module attributes {stable_mosaic.version = 14 : i64} {
  func.func @_decoder_kernel(%arg0: i32, %arg1: i32, %arg2: memref<1024x64xf32, #tpu.memory_space<vmem>>, %arg3: memref<2048x64xf32, #tpu.memory_space<vmem>>, %arg4: memref<1024x2048xf32, #tpu.memory_space<vmem>>) attributes {dimension_semantics = [#tpu.dimension_semantics<arbitrary>, #tpu.dimension_semantics<arbitrary>], iteration_bounds = array<i64: 10, 5>, scalar_prefetch = 0 : i64, scratch_operands = 0 : i64, tpu.core_type = #tpu.core_type<tc>, window_params = [{transform_indices = @transform_0, window_bounds = array<i64: 1024, 64>}, {transform_indices = @transform_1, window_bounds = array<i64: 2048, 64>}, {transform_indices = @transform_2, window_bounds = array<i64: 1024, 2048>}]} {
    %get3A = arith.constant 0 : index
    %get3A_0 = arith.constant 0 : index
    %get3A_1 = vector.load %arg2[%get3A, %get3A_0] : memref<1024x64xf32, #tpu.memory_space<vmem>>, vector<1024x64xf32>
    %get3A_2 = arith.constant 0 : index
    %get3A_3 = arith.constant 0 : index
    %get3A_4 = vector.load %arg3[%get3A_2, %get3A_3] : memref<2048x64xf32, #tpu.memory_space<vmem>>, vector<2048x64xf32>
    %dot_general3A = arith.constant dense<0.000000e+00> : vector<1024x2048xf32>
    %dot_general3A_5 = tpu.matmul %get3A_1, %get3A_4, %dot_general3A {dimension_numbers = #tpu.dot_dimension_numbers<[1], [1], [0], [0], [0, 0, 1, 0], [], []>, transpose_lhs_hint = false} : vector<1024x64xf32>, vector<2048x64xf32>, vector<1024x2048xf32> -> vector<1024x2048xf32>
    %mul3A = arith.constant 5.000000e-01 : f32
    %mul3A_6 = vector.broadcast %mul3A : f32 to vector<1024x2048xf32>
    %mul3A_7 = arith.mulf %mul3A_6, %dot_general3A_5 : vector<1024x2048xf32>
    %tanh3A = math.tanh %mul3A_7 : vector<1024x2048xf32>
    %mul3A_8 = arith.constant 5.000000e-01 : f32
    %mul3A_9 = vector.broadcast %mul3A_8 : f32 to vector<1024x2048xf32>
    %mul3A_10 = arith.mulf %mul3A_9, %tanh3A : vector<1024x2048xf32>
    %add3A = arith.constant 5.000000e-01 : f32
    %add3A_11 = vector.broadcast %add3A : f32 to vector<1024x2048xf32>
    %add3A_12 = arith.addf %mul3A_10, %add3A_11 : vector<1024x2048xf32>
    %swap3A = arith.constant 0 : index
    %swap3A_13 = arith.constant 0 : index
    %swap3A_14 = vector.load %arg4[%swap3A, %swap3A_13] : memref<1024x2048xf32, #tpu.memory_space<vmem>>, vector<1024x2048xf32>
    tpu.vector_store %arg4[%swap3A, %swap3A_13], %add3A_12 {strides = array<i32>} : memref<1024x2048xf32, #tpu.memory_space<vmem>>, vector<1024x2048xf32>,
    return
  }
  func.func @transform_0(%arg0: i32, %arg1: i32) -> (i32, i32) {
    %c0_i32 = arith.constant 0 : i32
    %c0_i32_0 = arith.constant 0 : i32
    return %arg0, %c0_i32 : i32, i32
  }
  func.func @transform_1(%arg0: i32, %arg1: i32) -> (i32, i32) {
    %c0_i32 = arith.constant 0 : i32
    %c0_i32_0 = arith.constant 0 : i32
    return %arg1, %c0_i32 : i32, i32
  }
  func.func @transform_2(%arg0: i32, %arg1: i32) -> (i32, i32) {
    %c0_i32 = arith.constant 0 : i32
    return %arg0, %arg1 : i32, i32
  }
}

</mosaic_0001>

<sc_bundles>
// kernel: kernel.12.cloned.1.call-start
scs
__scs_entry_jumppad:
0x0: {  	(pc) =	sbr.rel $0x88, $3  }
0x1: {  	(tag) =	ssettag $0x0;
	lr =	simm.s32 $0x1  }
0x2: {  	[smem:$0x3F99] =	sst lr;
	_ =	strace $0xD0000000  }
0x3: {  	_ = 	snop  }
0x4: {  	_ = 	snop  }
0x5: {  	_ = 	snop  }
0x6: {  	_ = 	snop  }
0x7: {  	_ = 	snop  }
__scs_overlays_trampoline_lowered:
0x8: {  	[smem:$0x3FA8] =	sst s0  }
0x9: {  	[smem:$0x3FA9] =	sst s1  }
0xa: {  	[smem:$0x3FAA] =	sst s2  }
0xb: {  	[smem:$0x3FAB] =	sst s3  }
0xc: {  	[smem:$0x3FAC] =	sst s4  }
0xd: {  	[smem:$0x3FAD] =	sst s5  }
0xe: {  	[smem:$0x3FAE] =	sst s6  }
0xf: {  	[smem:$0x3FAF] =	sst s7  }
0x10: {  	[smem:$0x3FB0] =	sst s8  }
0x11: {  	[smem:$0x3FB1] =	sst s9;
	s0 =	simm.s32 @!p0 $0x0  }
0x12: {  	s1 =	sld [smem:$0x3F97];
	s0 =	simm.s32 @p0 $0x1  }
0x13: {  	[smem:$0x3FB2] =	sst s0;
	s0 =	simm.s32 @!p1 $0x0  }
0x14: {  	s2 =	sld [smem:$0x3F96];
	s0 =	simm.s32 @p1 $0x1  }
0x15: {  	[smem:$0x3FB3] =	sst s0;
	s0 =	simm.s32 @!p2 $0x0  }
0x16: {  	s3 =	sld [smem:$0x3FDB];
	s0 =	simm.s32 @p2 $0x1  }
0x17: {  	s4 =	simm.s32 $0x1BF5;
	[smem:$0x3FB5] =	sst s0  }
0x18: {  	s0 =	sld [smem:$0x3F98];
	_ =	swait.ge [sflag:s4], $0x0  }
0x19: {  	s7 =	sld [smem:$0x3F99]  }
0x1a: {  	s8 =	sadd.s32 $0xFFFFE003, lr  }
0x1b: {  	s9 =	sadd.s32 $0xFFFFFEF7, lr;
	s5 =	simm.s32 $0xFFFFFFFF;
	p2 =	slt.u32 s8, $0xFFFFF086  }
0x1c: {  	p1 =	slt.u32 s9, $0xF7A;
	s5 =	simm.s32 @!p2 $0x0  }
0x1d: {  	s5 =	simm.s32 @p1 $0x1;
	p0 =	seq.s32 s7, s2  }
0x1e: {  	s7 =	smul.u32 @!p0 $0xF7A, s2;
	p2 =	seq.s32 @!p0 s5, $0x0  }
0x1f: {  	s9 =	smul.u32 $0xF7A, s1;
	s8 =	simm.s32 @!p0 $0x1BF5;
	p2 =	por !p2, p0  }
0x20: {  	[sflag:s8] =	ssyncset.s32 @!p0 $0xFFFFF086;
	s6 =	sadd.s32 @!p0 s3, s7;
	s7 =	simm.s32 @!p0 $0x108  }
0x21: {  	s3 =	sadd.s32 s3, s9;
	s6 =	sadd.s32 @!p0 $0x88, s6;
	s7 =	simm.s32 @p2 $0x1082  }
0x22: {  	[simem:s7], [sflag:s8] =	dma.local @!p0 [hbm:s6], $0xF7A  }
0x23: {  	s9 =	sor.u32 $0xD0000000, s2;
	s6 =	simm.s32 $0x108;
	_ =	swait.ge @!p0 [sflag:s8], $0x0  }
0x24: {  	s3 =	sadd.s32 $0x88, s3;
	s6 =	simm.s32 @!p1 $0x1082;
	[sflag:s4] =	ssyncset.s32 $0xFFFFF086  }
0x25: {  	[simem:s6], [sflag:s4] =	dma.local [hbm:s3], $0xF7A  }
0x26: {  	[smem:$0x3F99] =	sst s1;
	(tag) =	ssettag s2;
	_ =	strace s9  }
0x27: {  	s1 =	sld [smem:$0x3FA9]  }
0x28: {  	s2 =	sld [smem:$0x3FAA]  }
0x29: {  	s4 =	sld [smem:$0x3FAC]  }
0x2a: {  	p0 =	seq.s32 s5, $0x0;
	s5 =	sld [smem:$0x3FAD]  }
0x2b: {  	s6 =	sld [smem:$0x3FAE]  }
0x2c: {  	s7 =	sld [smem:$0x3FAF]  }
0x2d: {  	s3 =	simm.s32 $0x108;
	s8 =	sld [smem:$0x3FB0]  }
0x2e: {  	s3 =	simm.s32 @!p0 $0x1082;
	s9 =	sld [smem:$0x3FB1]  }
0x2f: {  	lr =	sadd.s32 s0, s3;
	s0 =	sld [smem:$0x3FA8]  }
0x30: {  	s3 =	sld [smem:$0x3FAB]  }
0x31: {  	[smem:$0x3FB4] =	sst s10  }
0x32: {  	s10 =	sld [smem:$0x3FB2];
	_ =	sdelay $0x3  }
0x33: {  	p0 =	seq.s32 s10, $0x1;
	s10 =	sld [smem:$0x3FB4];
	_ =	sdelay $0x3  }
0x34: {  	[smem:$0x3FB4] =	sst s10  }
0x35: {  	s10 =	sld [smem:$0x3FB3];
	_ =	sdelay $0x3  }
0x36: {  	p1 =	seq.s32 s10, $0x1;
	s10 =	sld [smem:$0x3FB4];
	_ =	sdelay $0x3  }
0x37: {  	[smem:$0x3FB4] =	sst s10  }
0x38: {  	s10 =	sld [smem:$0x3FB5]  }
0x39: {  	_ = 	snop;
	(pc) =	sbr.ind lr, $3  }
0x3a: {  	_ = 	snop  }
0x3b: {  	_ = 	snop  }
0x3c: {  	p2 =	seq.s32 s10, $0x1;
	s10 =	sld [smem:$0x3FB4]  }
0x3d: {  	_ =	shalt  }
0x3e: {  	_ =	shalt  }
0x3f: {  	_ =	shalt  }
0x40: {  	_ =	shalt  }
0x41: {  	_ =	shalt  }
0x42: {  	_ =	shalt  }
0x43: {  	_ =	shalt  }
0x44: {  	_ =	shalt  }
0x45: {  	_ =	shalt  }
0x46: {  	_ =	shalt  }
0x47: {  	_ =	shalt  }
0x48: {  	_ =	shalt  }
0x49: {  	_ =	shalt  }
0x4a: {  	_ =	shalt  }
0x4b: {  	_ =	shalt  }
0x4c: {  	_ =	shalt  }
0x4d: {  	_ =	shalt  }
0x4e: {  	_ =	shalt  }
0x4f: {  	_ =	shalt  }
0x50: {  	_ =	shalt  }
0x51: {  	_ =	shalt  }
0x52: {  	_ =	shalt  }
0x53: {  	_ =	shalt  }
0x54: {  	_ =	shalt  }
0x55: {  	_ =	shalt  }
0x56: {  	_ =	shalt  }
0x57: {  	_ =	shalt  }
0x58: {  	_ =	shalt  }
0x59: {  	_ =	shalt  }
0x5a: {  	_ =	shalt  }
0x5b: {  	_ =	shalt  }
0x5c: {  	_ =	shalt  }
0x5d: {  	_ =	shalt  }
0x5e: {  	_ =	shalt  }
0x5f: {  	_ =	shalt  }
0x60: {  	_ =	shalt  }
0x61: {  	_ =	shalt  }
0x62: {  	_ =	shalt  }
0x63: {  	_ =	shalt  }
0x64: {  	_ =	shalt  }
0x65: {  	_ =	shalt  }
0x66: {  	_ =	shalt  }
0x67: {  	_ =	shalt  }
0x68: {  	_ =	shalt  }
0x69: {  	_ =	shalt  }
0x6a: {  	_ =	shalt  }
0x6b: {  	_ =	shalt  }
0x6c: {  	_ =	shalt  }
0x6d: {  	_ =	shalt  }
0x6e: {  	_ =	shalt  }
0x6f: {  	_ =	shalt  }
0x70: {  	_ =	shalt  }
0x71: {  	_ =	shalt  }
0x72: {  	_ =	shalt  }
0x73: {  	_ =	shalt  }
0x74: {  	_ =	shalt  }
0x75: {  	_ =	shalt  }
0x76: {  	_ =	shalt  }
0x77: {  	_ =	shalt  }
0x78: {  	_ =	shalt  }
0x79: {  	_ =	shalt  }
0x7a: {  	_ =	shalt  }
0x7b: {  	_ =	shalt  }
0x7c: {  	_ =	shalt  }
0x7d: {  	_ =	shalt  }
0x7e: {  	_ =	shalt  }
0x7f: {  	_ =	shalt  }
0x80: {  	_ =	shalt  }
0x81: {  	_ =	shalt  }
0x82: {  	_ =	shalt  }
0x83: {  	_ =	shalt  }
0x84: {  	_ =	shalt  }
0x85: {  	_ =	shalt  }
0x86: {  	_ =	shalt  }
0x87: {  	_ =	shalt  }
.Lfunc_end0:
.L_simem_size_0:
called_computation_lowered:
.L_overlay_start_0:
0x88: {  	s2 =	sld [smem:$0x3FD9]  }
0x89: {  	s3 =	sld [smem:$0x3FFE];
	_ =	sdelay $0x1  }
0x8a: {  	s1 =	srdreg.scid  }
0x8b: {  	s0 =	sand.u32 $0x1, s1  }
0x8c: {  	s17 =	sshll.u32 s0, $0xA;
	s2 =	sadd.s32 s3, s2  }
0x8d: {  	s2 =	sadd.s32 s2, s17  }
0x8e: {  	[smem:$0x3FC0] =	sst s2  }
0x8f: {  	_ = 	snop  }
0x90: {  	s2 =	sld [smem:$0x3FD0];
	(tm) =	ssettm $0x1  }
0x91: {  	s18 =	sld [smem:$0x3FFB];
	_ =	sdelay $0x3  }
0x92: {  	_ =	strace s18  }
0x93: {  	s3 =	sld [smem:$0x3FFC];
	_ =	sdelay $0x3  }
0x94: {  	_ =	strace s3  }
0x95: {  	s3 =	sld [smem:$0x3FFD];
	_ =	sdelay $0x3  }
0x96: {  	_ =	strace s3  }
0x97: {  	_ =	strace $0x8FFFFFFF  }
0x98: {  	s19 =	sld [smem:$0x3FDB];
	_ =	sdelay $0x1  }
0x99: {  	s4 =	simm.s32 $_scs_section_size  }
0x9a: {  	s5 =	simm.s32 $_size__tile_overlayer_lowered;
	s6 =	simm.s32 $_tile_overlayer_lowered  }
0x9b: {  	s22 =	simm.s32 $0x1BFF;
	s21 =	sshll.u32 s6, $0x1;
	s3 =	sadd.s32 s4, s19  }
0x9c: {  	s7 =	simm.s32 $0x0;
	s20 =	sshll.u32 s5, $0x1;
	s5 =	sadd.s32 s21, s3  }
0x9d: {  	[timem:s7], [sflag:s22] =	dma.local [hbm:s5], s20  }
0x9e: {  	_ =	swait.ge [sflag:s22], s20  }
0x9f: {  	s4 =	ssub.s32 $0x0, s20;
	[sflag:s22] =	ssyncset.done $0x0  }
0xa0: {  	[sflag:s22] =	ssyncadd.s32 s4;
	_ =	sdelay $0x1  }
0xa1: {  	s23 =	simm.s32 $0x1B8B  }
0xa2: {  	_ =	swait.ge [sflag:s23], $0x1  }
0xa3: {  	[sflag:s23] =	ssyncset.done $0x0  }
0xa4: {  	s25 =	simm.s32 $0x1B8E;
	s24 =	sld [smem:$0x3FFE];
	[sflag:s23] =	ssyncadd.s32 $0xFFFFFFFF  }
0xa5: {  	s26 =	simm.s32 $execute0_lowered;
	[smem:$0x3FD2] =	sst s25  }
0xa6: {  	s5 =	sshll.u32 s26, $0x1;
	_ =	strace $0x80000046;
	[dreg:$0x1] =	wrdreg $0xFFFFFFFF  }
0xa7: {  	s28 =	simm.s32 $_size_execute0_lowered;
	s3 =	sadd.s32 s3, s5;
	[dreg:$0x0] =	wrdreg $0x0  }
0xa8: {  	s5 =	sshll.u32 s28, $0x1;
	[dreg:$0x2] =	wrdreg s3  }
0xa9: {  	[dreg:$0x3] =	wrdreg s5  }
0xaa: {  	[dreg:$0x4] =	wrdreg $0xC0  }
0xab: {  	_ =	task [dreg:s7], $0x5FFFF  }
0xac: {  	[dreg:$0x1] =	wrdreg $0xFFFFFFFF  }
0xad: {  	[dreg:$0x0] =	wrdreg $0x60  }
0xae: {  	[dreg:$0x2] =	wrdreg s24  }
0xaf: {  	[dreg:$0x3] =	wrdreg s2  }
0xb0: {  	[dreg:$0x4] =	wrdreg $0x0  }
0xb1: {  	[dreg:$0x5] =	wrdreg $0x9  }
0xb2: {  	_ =	task.clear_ibuf [dreg:s7], $0x6FFFF;
	_ =	strace $0x90000046  }
0xb3: {  	s29 =	simm.s32 $0x9;
	_ =	strace $0x80000048  }
0xb4: {  	_ =	swait.ge [sflag:s29], $0x1  }
0xb5: {  	[sflag:s29] =	ssyncadd.s32 $0xFFFFFFFF  }
0xb6: {  	_ =	strace $0x90000048  }
0xb7: {  	_ =	sfence  }
0xb8: {  	s30 =	sld [smem:$0x0];
	_ =	sdelay $0x2  }
0xb9: {  	s31 =	sshll.u32 s1, $0xD;
	s1 =	sshrl.u32 s1, $0x2  }
0xba: {  	s3 =	sand.u32 $0x4000, s31;
	s1 =	sadd.s32 s1, s30  }
0xbb: {  	s0 =	sor.u32 s3, s0;
	s1 =	sshll.u32 s1, $0x11  }
0xbc: {  	s0 =	sor.u32 s1, s0  }
0xbd: {  	s0 =	sadd.s32 $0x8F2B, s0  }
0xbe: {  	[sflag:s0] =	ssyncadd.remote.s32 $0x1  }
0xbf: {  	_ =	sfence.sel $0xFFFF  }
0xc0: {  	[dreg:$0x0] =	wrdreg $0xFFFFFFFF;
	(pc) =	sbr.abs _section_cstart, $3  }
0xc1: {  	[dreg:$0x1] =	wrdreg $0xFFFFFFFF  }
0xc2: {  	_ =	task.clear_ibuf [dreg:s7], $0x2FFFF;
	_ =	strace $0x9FFFFFFF  }
0xc3: {  	(tm) =	ssettm $0x7FFFFFFF  }
tec
execute0_lowered:
.L_overlay_start_1:
0x0: {  	(tag) =	ssettag $0x1  }
0x1: {  	s5 =	rddreg [dreg:$0x0]  }
0x2: {  	s7 =	rddreg [dreg:$0x1]  }
0x3: {  	s2 =	rddreg [dreg:$0x2];
	s1 =	stileid.u32  }
0x4: {  	s3 =	srdreg.scid;
	s0 =	rddreg [dreg:$0x3];
	s13 =	simm.s32 $0x16800  }
0x5: {  	s14 =	simm.s32 $0x40;
	s15 =	simm.s32 $0x1;
	s16 =	simm.s32 $0x0  }
0x6: {  	s6 =	sand.u32 $0x1, s3;
	s4 =	sshll.u32 s1, $0x1;
	s8 =	smul.u32 $0x13C00, s1  }
0x7: {  	s3 =	simm.s32 $0x0;
	s10 =	smul.u32 $0x4F000, s1;
	s4 =	sor.u32 s6, s4  }
0x8: {  	[smem:$0x7FF] =	sst s3;
	s12 =	ssub.s32 $0x2, s6;
	s6 =	smul.u32 $0x13C000, s6  }
0x9: {  	s31 =	sshll.u32 s1, $0x6;
	s9 =	smul.u32 $0x580, s4;
	_ =	strace $0x80000047  }
0xa: {  	s4 =	sadd.s32 $0xE000, s5;
	s11 =	sshrl.u32 s8, $0x3;
	s29 =	sshrl.u32 s12, $0x1  }
0xb: {  	s10 =	sshrl.u32 s10, $0x2;
	s11 =	sadd.s32 s11, s5;
	s6 =	sadd.s32 s8, s6  }
0xc: {  	s30 =	sadd.s32 s10, s2;
	s10 =	simm.s32 $0x2;
	s5 =	sadd.s32 s9, s5  }
0xd: {  	s9 =	ssub.s32 s12, s29;
	s8 =	sshrl.u32 s6, $0x3;
	s6 =	sadd.s32 $0xE400, s11  }
0xe: {  	s11 =	sor.u32 $0x1C02, s31;
	s12 =	sshrl.u32 s30, $0x3;
	s5 =	sadd.s32 $0x3000, s5  }
0xf: {  	s7 =	sadd.s32 s7, s8;
	s8 =	smax.u32 s9, $0x1;
	s9 =	simm.s32 $0x13C00  }
.LBB2_1:
0x10: {  	[tilespmem:s9], [sflag:$0x2] =	stream.linear.gather [hbm4b:s5+s3], $0x2880, $0x38;
	[tilespmem:$0x18800] =	vst v63  }
0x11: {  	_ =	swait.ge [sflag:s10], $0x2880  }
0x12: {  	[sflag:s10] =	ssyncset.done $0x0  }
0x13: {  	[sflag:s10] =	ssyncadd.s32 $0xFFFFD780  }
0x14: {  	[spmem:s12], [sflag:s11] =	dma.local [hbm:s6], $0x2780  }
0x15: {  	_ =	swait.ge [sflag:s10], $0x2780  }
0x16: {  	[sflag:s10] =	ssyncset.done $0x0  }
0x17: {  	[sflag:s10] =	ssyncadd.s32 $0xFFFFD880  }
0x18: {  	[tilespmem:s13], [sflag:$0x2] =	stream.linear.gather [hbm4b:s4+s3], $0x2000, $0x38;
	[tilespmem:$0x18800] =	vst v63  }
0x19: {  	_ =	swait.ge [sflag:s10], $0x2000  }
0x1a: {  	[sflag:s10] =	ssyncset.done $0x0  }
0x1b: {  	[sflag:s10] =	ssyncadd.s32 $0xFFFFE000  }
0x1c: {  	s17 =	simm.s32 $0x0;
	[bflag:$0x0] =	sbarrier.arrive $0xFFFF  }
.LBB2_2:
0x1d: {  	p0 =	sne.s32 s17, $0xA000  }
.Ltmp0:
0x1e: {  	_ = 	snop;
	(pc) =	sbr.rel @p0 .LBB2_2-.Ltmp0, $4  }
0x1f: {  	_ = 	snop  }
0x20: {  	s18 =	sshra.s32 s17, $0x2  }
0x21: {  	s17 =	sadd.s32 $0x200, s17;
	s18 =	sadd.s32 $0x13C00, s18  }
0x22: {  	[spmem:s2] =	stream.indirect.scatter.add.f32 [tilespmem:s13], [sflag:$0x1], $0x80, s18, s14, $0xb8;
	[tilespmem:$0x18800] =	vst v63  }
0x23: {  	_ =	swait.ge [sflag:s15], $0x2000  }
0x24: {  	s17 =	simm.s32 $0x50;
	[sflag:s15] =	ssyncset.done $0x0  }
.LBB2_4:
0x25: {  	p0 =	sne.s32 s17, $0x1;
	s17 =	sadd.s32 $0xFFFFFFFF, s17;
	[sflag:s15] =	ssyncadd.s32 $0xFFFFE000  }
.Ltmp1:
0x26: {  	(pc) =	sbr.rel @p0 .LBB2_4-.Ltmp1, $3  }
0x27: {  	_ =	sdelay $0x1  }
0x28: {  	_ =	swait.ge [sflag:s15], $0x2000  }
0x29: {  	[sflag:s15] =	ssyncset.done $0x0  }
0x2a: {  	s16 =	sadd.s32 $0x1, s16  }
0x2b: {  	[sflag:s15] =	ssyncadd.s32 $0xFFFFE000;
	p0 =	sne.s32 s16, s8  }
.Ltmp2:
0x2c: {  	[bflag:$0x0] =	sbarrier.arrive $0xFFFF;
	(pc) =	sbr.rel @p0 .LBB2_1-.Ltmp2, $4  }
0x2d: {  	[hbm:s7], [sflag:s11] =	dma.local [spmem:s12], $0x2780  }
0x2e: {  	_ =	swait.ge [sflag:s10], $0x2780  }
0x2f: {  	[sflag:s10] =	ssyncset.done $0x0  }
0x30: {  	[sflag:s10] =	ssyncadd.s32 $0xFFFFD880  }
0x31: {  	_ =	sfence.sel $0x180000  }
0x32: {  	[bflag:$0x0] =	sbarrier.arrive $0xFFFF  }
0x33: {  	p0 =	sne.s32 s1, $0x0;
	_ =	strace $0x90000047  }
0x34: {  	s0 =	sadd.s32 @!p0 $0x100000, s0;
	[bflag:$0x2] =	sbarrier.arrive $0xFFFF  }
0x35: {  	[sflag:s0] =	ssyncadd.tile.s32 @!p0 $0x1;
	_ =	shalt  }
.Lfunc_end2:
_tile_overlayer_lowered:
.L_overlay_start_2:
0x36: {  	(tag) =	ssettag $0x2  }
0x37: {  	s0 =	rddreg [dreg:$0x0];
	s2 =	stileid.u32  }
0x38: {  	s1 =	rddreg [dreg:$0x1];
	p0 =	sne.s32 s2, $0x0  }
0x39: {  	s3 =	rddreg [dreg:$0x2];
	[bflag:$0x3] =	sbarrier.arrive $0xFFFF;
	s2 =	simm.s32 @!p0 $0x1C02  }
0x3a: {  	[timem:s3], [sflag:s2] =	dma.local @!p0 [hbm:s0], s1  }
0x3b: {  	s0 =	simm.s32 @!p0 $0x2  }
0x3c: {  	_ =	swait.ge @!p0 [sflag:s0], s1  }
0x3d: {  	s1 =	ssub.s32 @!p0 $0x0, s1;
	[sflag:s0] =	ssyncset.done @!p0 $0x0  }
0x3e: {  	[sflag:s0] =	ssyncadd.s32 @!p0 s1  }
0x3f: {  	[bflag:$0x3] =	sbarrier.arrive $0xFFFF  }
0x40: {  	_ =	shalt  }

// kernel: kernel.15.cloned.1.call-start
scs
__scs_entry_jumppad:
0x0: {  	(pc) =	sbr.rel $0x88, $3  }
0x1: {  	(tag) =	ssettag $0x0;
	lr =	simm.s32 $0x1  }
0x2: {  	[smem:$0x3F99] =	sst lr;
	_ =	strace $0xD0000000  }
0x3: {  	_ = 	snop  }
0x4: {  	_ = 	snop  }
0x5: {  	_ = 	snop  }
0x6: {  	_ = 	snop  }
0x7: {  	_ = 	snop  }
__scs_overlays_trampoline_lowered:
0x8: {  	[smem:$0x3FA8] =	sst s0  }
0x9: {  	[smem:$0x3FA9] =	sst s1  }
0xa: {  	[smem:$0x3FAA] =	sst s2  }
0xb: {  	[smem:$0x3FAB] =	sst s3  }
0xc: {  	[smem:$0x3FAC] =	sst s4  }
0xd: {  	[smem:$0x3FAD] =	sst s5  }
0xe: {  	[smem:$0x3FAE] =	sst s6  }
0xf: {  	[smem:$0x3FAF] =	sst s7  }
0x10: {  	[smem:$0x3FB0] =	sst s8  }
0x11: {  	[smem:$0x3FB1] =	sst s9;
	s0 =	simm.s32 @!p0 $0x0  }
0x12: {  	s1 =	sld [smem:$0x3F97];
	s0 =	simm.s32 @p0 $0x1  }
0x13: {  	[smem:$0x3FB2] =	sst s0;
	s0 =	simm.s32 @!p1 $0x0  }
0x14: {  	s2 =	sld [smem:$0x3F96];
	s0 =	simm.s32 @p1 $0x1  }
0x15: {  	[smem:$0x3FB3] =	sst s0;
	s0 =	simm.s32 @!p2 $0x0  }
0x16: {  	s3 =	sld [smem:$0x3FDB];
	s0 =	simm.s32 @p2 $0x1  }
0x17: {  	s4 =	simm.s32 $0x1BF5;
	[smem:$0x3FB5] =	sst s0  }
0x18: {  	s0 =	sld [smem:$0x3F98];
	_ =	swait.ge [sflag:s4], $0x0  }
0x19: {  	s7 =	sld [smem:$0x3F99]  }
0x1a: {  	s8 =	sadd.s32 $0xFFFFE003, lr  }
0x1b: {  	s9 =	sadd.s32 $0xFFFFFEF7, lr;
	s5 =	simm.s32 $0xFFFFFFFF;
	p2 =	slt.u32 s8, $0xFFFFF086  }
0x1c: {  	p1 =	slt.u32 s9, $0xF7A;
	s5 =	simm.s32 @!p2 $0x0  }
0x1d: {  	s5 =	simm.s32 @p1 $0x1;
	p0 =	seq.s32 s7, s2  }
0x1e: {  	s7 =	smul.u32 @!p0 $0xF7A, s2;
	p2 =	seq.s32 @!p0 s5, $0x0  }
0x1f: {  	s9 =	smul.u32 $0xF7A, s1;
	s8 =	simm.s32 @!p0 $0x1BF5;
	p2 =	por !p2, p0  }
0x20: {  	[sflag:s8] =	ssyncset.s32 @!p0 $0xFFFFF086;
	s6 =	sadd.s32 @!p0 s3, s7;
	s7 =	simm.s32 @!p0 $0x108  }
0x21: {  	s3 =	sadd.s32 s3, s9;
	s6 =	sadd.s32 @!p0 $0x88, s6;
	s7 =	simm.s32 @p2 $0x1082  }
0x22: {  	[simem:s7], [sflag:s8] =	dma.local @!p0 [hbm:s6], $0xF7A  }
0x23: {  	s9 =	sor.u32 $0xD0000000, s2;
	s6 =	simm.s32 $0x108;
	_ =	swait.ge @!p0 [sflag:s8], $0x0  }
0x24: {  	s3 =	sadd.s32 $0x88, s3;
	s6 =	simm.s32 @!p1 $0x1082;
	[sflag:s4] =	ssyncset.s32 $0xFFFFF086  }
0x25: {  	[simem:s6], [sflag:s4] =	dma.local [hbm:s3], $0xF7A  }
0x26: {  	[smem:$0x3F99] =	sst s1;
	(tag) =	ssettag s2;
	_ =	strace s9  }
0x27: {  	s1 =	sld [smem:$0x3FA9]  }
0x28: {  	s2 =	sld [smem:$0x3FAA]  }
0x29: {  	s4 =	sld [smem:$0x3FAC]  }
0x2a: {  	p0 =	seq.s32 s5, $0x0;
	s5 =	sld [smem:$0x3FAD]  }
0x2b: {  	s6 =	sld [smem:$0x3FAE]  }
0x2c: {  	s7 =	sld [smem:$0x3FAF]  }
0x2d: {  	s3 =	simm.s32 $0x108;
	s8 =	sld [smem:$0x3FB0]  }
0x2e: {  	s3 =	simm.s32 @!p0 $0x1082;
	s9 =	sld [smem:$0x3FB1]  }
0x2f: {  	lr =	sadd.s32 s0, s3;
	s0 =	sld [smem:$0x3FA8]  }
0x30: {  	s3 =	sld [smem:$0x3FAB]  }
0x31: {  	[smem:$0x3FB4] =	sst s10  }
0x32: {  	s10 =	sld [smem:$0x3FB2];
	_ =	sdelay $0x3  }
0x33: {  	p0 =	seq.s32 s10, $0x1;
	s10 =	sld [smem:$0x3FB4];
	_ =	sdelay $0x3  }
0x34: {  	[smem:$0x3FB4] =	sst s10  }
0x35: {  	s10 =	sld [smem:$0x3FB3];
	_ =	sdelay $0x3  }
0x36: {  	p1 =	seq.s32 s10, $0x1;
	s10 =	sld [smem:$0x3FB4];
	_ =	sdelay $0x3  }
0x37: {  	[smem:$0x3FB4] =	sst s10  }
0x38: {  	s10 =	sld [smem:$0x3FB5]  }
0x39: {  	_ = 	snop;
	(pc) =	sbr.ind lr, $3  }
0x3a: {  	_ = 	snop  }
0x3b: {  	_ = 	snop  }
0x3c: {  	p2 =	seq.s32 s10, $0x1;
	s10 =	sld [smem:$0x3FB4]  }
0x3d: {  	_ =	shalt  }
0x3e: {  	_ =	shalt  }
0x3f: {  	_ =	shalt  }
0x40: {  	_ =	shalt  }
0x41: {  	_ =	shalt  }
0x42: {  	_ =	shalt  }
0x43: {  	_ =	shalt  }
0x44: {  	_ =	shalt  }
0x45: {  	_ =	shalt  }
0x46: {  	_ =	shalt  }
0x47: {  	_ =	shalt  }
0x48: {  	_ =	shalt  }
0x49: {  	_ =	shalt  }
0x4a: {  	_ =	shalt  }
0x4b: {  	_ =	shalt  }
0x4c: {  	_ =	shalt  }
0x4d: {  	_ =	shalt  }
0x4e: {  	_ =	shalt  }
0x4f: {  	_ =	shalt  }
0x50: {  	_ =	shalt  }
0x51: {  	_ =	shalt  }
0x52: {  	_ =	shalt  }
0x53: {  	_ =	shalt  }
0x54: {  	_ =	shalt  }
0x55: {  	_ =	shalt  }
0x56: {  	_ =	shalt  }
0x57: {  	_ =	shalt  }
0x58: {  	_ =	shalt  }
0x59: {  	_ =	shalt  }
0x5a: {  	_ =	shalt  }
0x5b: {  	_ =	shalt  }
0x5c: {  	_ =	shalt  }
0x5d: {  	_ =	shalt  }
0x5e: {  	_ =	shalt  }
0x5f: {  	_ =	shalt  }
0x60: {  	_ =	shalt  }
0x61: {  	_ =	shalt  }
0x62: {  	_ =	shalt  }
0x63: {  	_ =	shalt  }
0x64: {  	_ =	shalt  }
0x65: {  	_ =	shalt  }
0x66: {  	_ =	shalt  }
0x67: {  	_ =	shalt  }
0x68: {  	_ =	shalt  }
0x69: {  	_ =	shalt  }
0x6a: {  	_ =	shalt  }
0x6b: {  	_ =	shalt  }
0x6c: {  	_ =	shalt  }
0x6d: {  	_ =	shalt  }
0x6e: {  	_ =	shalt  }
0x6f: {  	_ =	shalt  }
0x70: {  	_ =	shalt  }
0x71: {  	_ =	shalt  }
0x72: {  	_ =	shalt  }
0x73: {  	_ =	shalt  }
0x74: {  	_ =	shalt  }
0x75: {  	_ =	shalt  }
0x76: {  	_ =	shalt  }
0x77: {  	_ =	shalt  }
0x78: {  	_ =	shalt  }
0x79: {  	_ =	shalt  }
0x7a: {  	_ =	shalt  }
0x7b: {  	_ =	shalt  }
0x7c: {  	_ =	shalt  }
0x7d: {  	_ =	shalt  }
0x7e: {  	_ =	shalt  }
0x7f: {  	_ =	shalt  }
0x80: {  	_ =	shalt  }
0x81: {  	_ =	shalt  }
0x82: {  	_ =	shalt  }
0x83: {  	_ =	shalt  }
0x84: {  	_ =	shalt  }
0x85: {  	_ =	shalt  }
0x86: {  	_ =	shalt  }
0x87: {  	_ =	shalt  }
.Lfunc_end0:
.L_simem_size_0:
called_computation.1_lowered:
.L_overlay_start_0:
0x88: {  	s2 =	sld [smem:$0x3FD9]  }
0x89: {  	s3 =	sld [smem:$0x3FFE];
	_ =	sdelay $0x1  }
0x8a: {  	s1 =	srdreg.scid  }
0x8b: {  	s0 =	sand.u32 $0x1, s1  }
0x8c: {  	s17 =	sshll.u32 s0, $0xA;
	s2 =	sadd.s32 s3, s2  }
0x8d: {  	s2 =	sadd.s32 s2, s17  }
0x8e: {  	[smem:$0x3FC0] =	sst s2  }
0x8f: {  	_ = 	snop  }
0x90: {  	s2 =	sld [smem:$0x3FD0];
	(tm) =	ssettm $0x1  }
0x91: {  	s18 =	sld [smem:$0x3FFB];
	_ =	sdelay $0x3  }
0x92: {  	_ =	strace s18  }
0x93: {  	s3 =	sld [smem:$0x3FFC];
	_ =	sdelay $0x3  }
0x94: {  	_ =	strace s3  }
0x95: {  	s3 =	sld [smem:$0x3FFD];
	_ =	sdelay $0x3  }
0x96: {  	_ =	strace s3  }
0x97: {  	_ =	strace $0x8FFFFFFF  }
0x98: {  	s19 =	sld [smem:$0x3FDB];
	_ =	sdelay $0x1  }
0x99: {  	s4 =	simm.s32 $_scs_section_size  }
0x9a: {  	s5 =	simm.s32 $_size__tile_overlayer_lowered;
	s6 =	simm.s32 $_tile_overlayer_lowered  }
0x9b: {  	s22 =	simm.s32 $0x1BFF;
	s21 =	sshll.u32 s6, $0x1;
	s3 =	sadd.s32 s4, s19  }
0x9c: {  	s7 =	simm.s32 $0x0;
	s20 =	sshll.u32 s5, $0x1;
	s5 =	sadd.s32 s21, s3  }
0x9d: {  	[timem:s7], [sflag:s22] =	dma.local [hbm:s5], s20  }
0x9e: {  	_ =	swait.ge [sflag:s22], s20  }
0x9f: {  	s4 =	ssub.s32 $0x0, s20;
	[sflag:s22] =	ssyncset.done $0x0  }
0xa0: {  	[sflag:s22] =	ssyncadd.s32 s4;
	_ =	sdelay $0x1  }
0xa1: {  	s23 =	simm.s32 $0x1B8B  }
0xa2: {  	_ =	swait.ge [sflag:s23], $0x1  }
0xa3: {  	[sflag:s23] =	ssyncset.done $0x0  }
0xa4: {  	s25 =	simm.s32 $0x1B8E;
	s24 =	sld [smem:$0x3FFE];
	[sflag:s23] =	ssyncadd.s32 $0xFFFFFFFF  }
0xa5: {  	s26 =	simm.s32 $execute0_lowered;
	[smem:$0x3FD2] =	sst s25  }
0xa6: {  	s5 =	sshll.u32 s26, $0x1;
	_ =	strace $0x80000049;
	[dreg:$0x1] =	wrdreg $0xFFFFFFFF  }
0xa7: {  	s28 =	simm.s32 $_size_execute0_lowered;
	s3 =	sadd.s32 s3, s5;
	[dreg:$0x0] =	wrdreg $0x0  }
0xa8: {  	s5 =	sshll.u32 s28, $0x1;
	[dreg:$0x2] =	wrdreg s3  }
0xa9: {  	[dreg:$0x3] =	wrdreg s5  }
0xaa: {  	[dreg:$0x4] =	wrdreg $0xC0  }
0xab: {  	_ =	task [dreg:s7], $0x5FFFF  }
0xac: {  	[dreg:$0x1] =	wrdreg $0xFFFFFFFF  }
0xad: {  	[dreg:$0x0] =	wrdreg $0x60  }
0xae: {  	[dreg:$0x2] =	wrdreg s24  }
0xaf: {  	[dreg:$0x3] =	wrdreg s2  }
0xb0: {  	[dreg:$0x4] =	wrdreg $0x0  }
0xb1: {  	[dreg:$0x5] =	wrdreg $0x9  }
0xb2: {  	_ =	task.clear_ibuf [dreg:s7], $0x6FFFF;
	_ =	strace $0x90000049  }
0xb3: {  	s29 =	simm.s32 $0x9;
	_ =	strace $0x8000004B  }
0xb4: {  	_ =	swait.ge [sflag:s29], $0x1  }
0xb5: {  	[sflag:s29] =	ssyncadd.s32 $0xFFFFFFFF  }
0xb6: {  	_ =	strace $0x9000004B  }
0xb7: {  	_ =	sfence  }
0xb8: {  	s30 =	sld [smem:$0x0];
	_ =	sdelay $0x2  }
0xb9: {  	s31 =	sshll.u32 s1, $0xD;
	s1 =	sshrl.u32 s1, $0x2  }
0xba: {  	s3 =	sand.u32 $0x4000, s31;
	s1 =	sadd.s32 s1, s30  }
0xbb: {  	s0 =	sor.u32 s3, s0;
	s1 =	sshll.u32 s1, $0x11  }
0xbc: {  	s0 =	sor.u32 s1, s0  }
0xbd: {  	s0 =	sadd.s32 $0x8F2B, s0  }
0xbe: {  	[sflag:s0] =	ssyncadd.remote.s32 $0x1  }
0xbf: {  	_ =	sfence.sel $0xFFFF  }
0xc0: {  	[dreg:$0x0] =	wrdreg $0xFFFFFFFF;
	(pc) =	sbr.abs _section_cstart, $3  }
0xc1: {  	[dreg:$0x1] =	wrdreg $0xFFFFFFFF  }
0xc2: {  	_ =	task.clear_ibuf [dreg:s7], $0x2FFFF;
	_ =	strace $0x9FFFFFFF  }
0xc3: {  	(tm) =	ssettm $0x7FFFFFFF  }
tec
execute0_lowered:
.L_overlay_start_1:
0x0: {  	(tag) =	ssettag $0x1  }
0x1: {  	s0 =	rddreg [dreg:$0x0]  }
0x2: {  	s1 =	rddreg [dreg:$0x1]  }
0x3: {  	s2 =	rddreg [dreg:$0x2]  }
0x4: {  	s4 =	srdreg.scid;
	s13 =	stileid.u32  }
0x5: {  	s3 =	simm.s32 $0x0;
	s15 =	simm.s32 $0x1;
	s16 =	simm.s32 $0x40  }
0x6: {  	s17 =	simm.s32 $0x19400;
	s19 =	simm.s32 $0x1B400;
	s20 =	simm.s32 $0x2  }
0x7: {  	s21 =	simm.s32 $0x3;
	s23 =	simm.s32 $0x1D400;
	s29 =	simm.s32 $0x5  }
0x8: {  	s31 =	simm.s32 $0x7;
	s18 =	simm.s32 $0x9;
	s22 =	simm.s32 $0x0  }
0x9: {  	s7 =	sand.u32 $0x1, s4;
	s24 =	sshll.u32 s13, $0x1;
	s10 =	smul.u32 $0x13C00, s13  }
0xa: {  	[smem:$0x7FF] =	sst s3;
	s4 =	sadd.s32 $0x40C00, s0;
	s12 =	smul.u32 $0x4F000, s13  }
0xb: {  	s9 =	sadd.s32 $0xE400, s0;
	s30 =	smul.u32 $0x2780, s13;
	s5 =	sor.u32 s7, s24  }
0xc: {  	_ =	strace $0x8000004A;
	s6 =	ssub.s32 $0x2, s7;
	s8 =	smul.u32 $0x13C000, s7  }
0xd: {  	p0 =	seq.s32 s7, $0x0;
	s24 =	simm.s32 $0x4;
	s5 =	smul.u32 $0x580, s5  }
0xe: {  	s25 =	sshrl.u32 s6, $0x1;
	s28 =	sshrl.u32 s12, $0x2;
	s9 =	smov.u32 @p0 s4  }
0xf: {  	s12 =	simm.s32 $0x13C00;
	s11 =	ssub.s32 s6, s25;
	s26 =	sadd.s32 s10, s8  }
.Ltmp0:
0x10: {  	s14 =	sadd.s32 s28, s2;
	s9 =	sadd.s32 s9, s30;
	(pc) =	sbr.rel .LBB2_1-.Ltmp0, $4  }
0x11: {  	s10 =	sshll.u32 s13, $0x6;
	s13 =	simm.s32 $0x16800;
	s0 =	sadd.s32 s5, s0  }
0x12: {  	s8 =	smax.u32 s11, $0x1;
	s11 =	sor.u32 $0x1C02, s10;
	s14 =	sshrl.u32 s14, $0x3  }
0x13: {  	s5 =	sadd.s32 $0x35C00, s0;
	s6 =	sadd.s32 $0x3000, s0;
	s0 =	sshrl.u32 s26, $0x3  }
0x14: {  	s26 =	simm.s32 $0x6;
	s7 =	sadd.s32 s1, s0;
	s1 =	simm.s32 $0x8  }
.LBB2_4:
0x15: {  	_ =	swait.ge [sflag:s29], $0x2000  }
0x16: {  	[sflag:s29] =	ssyncset.done $0x0  }
0x17: {  	[sflag:s29] =	ssyncadd.s32 $0xFFFFE000  }
0x18: {  	[spmem:s2] =	stream.indirect.scatter.add.f32 [tilespmem:s23], [sflag:$0x8], $0x80, s30, s16, $0xb8;
	[tilespmem:$0x1F400] =	vst v63  }
0x19: {  	_ =	swait.ge [sflag:s31], $0x2000  }
0x1a: {  	[sflag:s31] =	ssyncset.done $0x0  }
0x1b: {  	[sflag:s31] =	ssyncadd.s32 $0xFFFFE000  }
0x1c: {  	_ =	swait.ge [sflag:s1], $0x2000  }
0x1d: {  	s22 =	sadd.s32 $0x1, s22;
	[sflag:s1] =	ssyncset.done $0x0  }
0x1e: {  	p0 =	sne.s32 s22, s8;
	[sflag:s1] =	ssyncadd.s32 $0xFFFFE000  }
.Ltmp1:
0x1f: {  	s0 =	sor.u32 $0x1C09, s10;
	[bflag:$0x0] =	sbarrier.arrive $0xFFFF;
	(pc) =	sbr.rel @!p0 .LBB2_5-.Ltmp1, $4  }
0x20: {  	[hbm:s7], [sflag:s0] =	dma.local [spmem:s14], $0x2780  }
0x21: {  	_ =	swait.ge [sflag:s18], $0x2780  }
0x22: {  	[sflag:s18] =	ssyncset.done $0x0  }
0x23: {  	[sflag:s18] =	ssyncadd.s32 $0xFFFFD880  }
.LBB2_1:
0x24: {  	[tilespmem:s12], [sflag:$0x1] =	stream.linear.gather [hbm4b:s5+s3], $0x2880, $0x38;
	[tilespmem:$0x1F400] =	vst v63  }
0x25: {  	_ = 	snop  }
0x26: {  	[tilespmem:s13], [sflag:$0x1] =	stream.linear.gather [hbm4b:s6+s3], $0x2880, $0x38;
	[tilespmem:$0x1F400] =	vst v63  }
0x27: {  	[spmem:s14], [sflag:s11] =	dma.local [hbm:s9], $0x2780  }
0x28: {  	_ =	swait.ge [sflag:s15], $0x2880  }
0x29: {  	[sflag:s15] =	ssyncset.done $0x0  }
0x2a: {  	[sflag:s15] =	ssyncadd.s32 $0xFFFFD780  }
0x2b: {  	_ =	swait.ge [sflag:s15], $0x2880  }
0x2c: {  	[sflag:s15] =	ssyncset.done $0x0  }
0x2d: {  	[sflag:s15] =	ssyncadd.s32 $0xFFFFD780  }
0x2e: {  	[tilespmem:s17], [sflag:$0x3] =	stream.indirect.gather [hbm4b:s4+s16], $0x80, s12, s16, $0xb8;
	[tilespmem:$0x1F400] =	vst v63  }
0x2f: {  	s0 =	simm.s32 $0x13C80  }
0x30: {  	[tilespmem:s19], [sflag:$0x4] =	stream.indirect.gather [hbm4b:s4+s16], $0x80, s0, s16, $0xb8;
	[tilespmem:$0x1F400] =	vst v63  }
0x31: {  	_ =	swait.ge [sflag:s20], $0x2780  }
0x32: {  	[sflag:s20] =	ssyncset.done $0x0  }
0x33: {  	[sflag:s20] =	ssyncadd.s32 $0xFFFFD880  }
0x34: {  	[bflag:$0x0] =	sbarrier.arrive $0xFFFF  }
0x35: {  	_ =	swait.ge [sflag:s21], $0x2000  }
0x36: {  	[sflag:s21] =	ssyncset.done $0x0  }
0x37: {  	[sflag:s21] =	ssyncadd.s32 $0xFFFFE000  }
0x38: {  	[spmem:s2] =	stream.indirect.scatter.add.f32 [tilespmem:s17], [sflag:$0x6], $0x80, s13, s16, $0xb8;
	[tilespmem:$0x1F400] =	vst v63  }
0x39: {  	s28 =	simm.s32 $0x13D00  }
0x3a: {  	[tilespmem:s23], [sflag:$0x5] =	stream.indirect.gather [hbm4b:s4+s16], $0x80, s28, s16, $0xb8;
	[tilespmem:$0x1F400] =	vst v63  }
0x3b: {  	_ =	swait.ge [sflag:s24], $0x2000  }
0x3c: {  	[sflag:s24] =	ssyncset.done $0x0  }
0x3d: {  	s30 =	simm.s32 $0x16880;
	[sflag:s24] =	ssyncadd.s32 $0xFFFFE000  }
0x3e: {  	[spmem:s2] =	stream.indirect.scatter.add.f32 [tilespmem:s19], [sflag:$0x7], $0x80, s30, s16, $0xb8;
	[tilespmem:$0x1F400] =	vst v63  }
0x3f: {  	_ =	swait.ge [sflag:s26], $0x2000  }
0x40: {  	[sflag:s26] =	ssyncset.done $0x0  }
0x41: {  	s25 =	simm.s32 $0x13D80;
	[sflag:s26] =	ssyncadd.s32 $0xFFFFE000  }
0x42: {  	[tilespmem:s17], [sflag:$0x3] =	stream.indirect.gather [hbm4b:s4+s16], $0x80, s25, s16, $0xb8;
	[tilespmem:$0x1F400] =	vst v63  }
0x43: {  	_ =	swait.ge [sflag:s29], $0x2000  }
0x44: {  	[sflag:s29] =	ssyncset.done $0x0  }
0x45: {  	s28 =	simm.s32 $0x16900;
	[sflag:s29] =	ssyncadd.s32 $0xFFFFE000  }
0x46: {  	[spmem:s2] =	stream.indirect.scatter.add.f32 [tilespmem:s23], [sflag:$0x8], $0x80, s28, s16, $0xb8;
	[tilespmem:$0x1F400] =	vst v63  }
0x47: {  	_ =	swait.ge [sflag:s31], $0x2000  }
0x48: {  	[sflag:s31] =	ssyncset.done $0x0  }
0x49: {  	s30 =	simm.s32 $0x13E00;
	s25 =	simm.s32 $0x0;
	[sflag:s31] =	ssyncadd.s32 $0xFFFFE000  }
0x4a: {  	[tilespmem:s19], [sflag:$0x4] =	stream.indirect.gather [hbm4b:s4+s16], $0x80, s30, s16, $0xb8;
	[tilespmem:$0x1F400] =	vst v63  }
.LBB2_2:
0x4b: {  	_ =	swait.ge [sflag:s21], $0x2000  }
0x4c: {  	s28 =	sshra.s32 s25, $0x2;
	[sflag:s21] =	ssyncset.done $0x0  }
0x4d: {  	s30 =	sadd.s32 $0x16980, s28;
	[sflag:s21] =	ssyncadd.s32 $0xFFFFE000  }
0x4e: {  	[spmem:s2] =	stream.indirect.scatter.add.f32 [tilespmem:s17], [sflag:$0x6], $0x80, s30, s16, $0xb8;
	[tilespmem:$0x1F400] =	vst v63  }
0x4f: {  	_ =	swait.ge [sflag:s1], $0x2000  }
0x50: {  	[sflag:s1] =	ssyncset.done $0x0  }
0x51: {  	s30 =	sadd.s32 $0x13E80, s28;
	[sflag:s1] =	ssyncadd.s32 $0xFFFFE000  }
0x52: {  	[tilespmem:s23], [sflag:$0x5] =	stream.indirect.gather [hbm4b:s4+s16], $0x80, s30, s16, $0xb8;
	[tilespmem:$0x1F400] =	vst v63  }
0x53: {  	_ =	swait.ge [sflag:s24], $0x2000  }
0x54: {  	p0 =	seq.s32 s25, $0x9600;
	[sflag:s24] =	ssyncset.done $0x0  }
.Ltmp2:
0x55: {  	s30 =	sadd.s32 $0x16A00, s28;
	[sflag:s24] =	ssyncadd.s32 $0xFFFFE000;
	(pc) =	sbr.rel @p0 .LBB2_4-.Ltmp2, $4  }
0x56: {  	[spmem:s2] =	stream.indirect.scatter.add.f32 [tilespmem:s19], [sflag:$0x7], $0x80, s30, s16, $0xb8;
	[tilespmem:$0x1F400] =	vst v63  }
0x57: {  	_ =	swait.ge [sflag:s26], $0x2000  }
0x58: {  	[sflag:s26] =	ssyncset.done $0x0  }
0x59: {  	s30 =	sadd.s32 $0x16A80, s28;
	[sflag:s26] =	ssyncadd.s32 $0xFFFFE000  }
0x5a: {  	s0 =	sadd.s32 $0x13F00, s28  }
0x5b: {  	[tilespmem:s17], [sflag:$0x3] =	stream.indirect.gather [hbm4b:s4+s16], $0x80, s0, s16, $0xb8;
	[tilespmem:$0x1F400] =	vst v63  }
0x5c: {  	_ =	swait.ge [sflag:s29], $0x2000  }
0x5d: {  	[sflag:s29] =	ssyncset.done $0x0  }
0x5e: {  	[sflag:s29] =	ssyncadd.s32 $0xFFFFE000  }
0x5f: {  	[spmem:s2] =	stream.indirect.scatter.add.f32 [tilespmem:s23], [sflag:$0x8], $0x80, s30, s16, $0xb8;
	[tilespmem:$0x1F400] =	vst v63  }
.Ltmp3:
0x60: {  	_ = 	snop;
	(pc) =	sbr.rel .LBB2_2-.Ltmp3, $4  }
0x61: {  	_ =	swait.ge [sflag:s31], $0x2000  }
0x62: {  	[sflag:s31] =	ssyncset.done $0x0  }
0x63: {  	s25 =	sadd.s32 $0x600, s25;
	s30 =	sadd.s32 $0x13F80, s28;
	[sflag:s31] =	ssyncadd.s32 $0xFFFFE000  }
0x64: {  	[tilespmem:s19], [sflag:$0x4] =	stream.indirect.gather [hbm4b:s4+s16], $0x80, s30, s16, $0xb8;
	[tilespmem:$0x1F400] =	vst v63  }
.LBB2_5:
0x65: {  	_ =	sfence.sel $0x180000  }
0x66: {  	[bflag:$0x0] =	sbarrier.arrive $0xFFFF  }
0x67: {  	_ =	strace $0x9000004A  }
0x68: {  	s0 =	stileid.u32;
	[bflag:$0x2] =	sbarrier.arrive $0xFFFF  }
0x69: {  	p0 =	sne.s32 s0, $0x0;
	s0 =	rddreg [dreg:$0x3]  }
0x6a: {  	s0 =	sadd.s32 @!p0 $0x100000, s0  }
0x6b: {  	[sflag:s0] =	ssyncadd.tile.s32 @!p0 $0x1;
	_ =	shalt  }
.Lfunc_end2:
_tile_overlayer_lowered:
.L_overlay_start_2:
0x6c: {  	(tag) =	ssettag $0x2  }
0x6d: {  	s0 =	rddreg [dreg:$0x0];
	s2 =	stileid.u32  }
0x6e: {  	s1 =	rddreg [dreg:$0x1];
	p0 =	sne.s32 s2, $0x0  }
0x6f: {  	s3 =	rddreg [dreg:$0x2];
	[bflag:$0x3] =	sbarrier.arrive $0xFFFF;
	s2 =	simm.s32 @!p0 $0x1C09  }
0x70: {  	[timem:s3], [sflag:s2] =	dma.local @!p0 [hbm:s0], s1  }
0x71: {  	s0 =	simm.s32 @!p0 $0x9  }
0x72: {  	_ =	swait.ge @!p0 [sflag:s0], s1  }
0x73: {  	s1 =	ssub.s32 @!p0 $0x0, s1;
	[sflag:s0] =	ssyncset.done @!p0 $0x0  }
0x74: {  	[sflag:s0] =	ssyncadd.s32 @!p0 s1  }
0x75: {  	[bflag:$0x3] =	sbarrier.arrive $0xFFFF  }
0x76: {  	_ =	shalt  }

// kernel: kernel.18.cloned.1.call-start
scs
__scs_entry_jumppad:
0x0: {  	(pc) =	sbr.rel $0x88, $3  }
0x1: {  	(tag) =	ssettag $0x0;
	lr =	simm.s32 $0x1  }
0x2: {  	[smem:$0x3F99] =	sst lr;
	_ =	strace $0xD0000000  }
0x3: {  	_ = 	snop  }
0x4: {  	_ = 	snop  }
0x5: {  	_ = 	snop  }
0x6: {  	_ = 	snop  }
0x7: {  	_ = 	snop  }
__scs_overlays_trampoline_lowered:
0x8: {  	[smem:$0x3FA8] =	sst s0  }
0x9: {  	[smem:$0x3FA9] =	sst s1  }
0xa: {  	[smem:$0x3FAA] =	sst s2  }
0xb: {  	[smem:$0x3FAB] =	sst s3  }
0xc: {  	[smem:$0x3FAC] =	sst s4  }
0xd: {  	[smem:$0x3FAD] =	sst s5  }
0xe: {  	[smem:$0x3FAE] =	sst s6  }
0xf: {  	[smem:$0x3FAF] =	sst s7  }
0x10: {  	[smem:$0x3FB0] =	sst s8  }
0x11: {  	[smem:$0x3FB1] =	sst s9;
	s0 =	simm.s32 @!p0 $0x0  }
0x12: {  	s1 =	sld [smem:$0x3F97];
	s0 =	simm.s32 @p0 $0x1  }
0x13: {  	[smem:$0x3FB2] =	sst s0;
	s0 =	simm.s32 @!p1 $0x0  }
0x14: {  	s2 =	sld [smem:$0x3F96];
	s0 =	simm.s32 @p1 $0x1  }
0x15: {  	[smem:$0x3FB3] =	sst s0;
	s0 =	simm.s32 @!p2 $0x0  }
0x16: {  	s3 =	sld [smem:$0x3FDB];
	s0 =	simm.s32 @p2 $0x1  }
0x17: {  	s4 =	simm.s32 $0x1BF5;
	[smem:$0x3FB5] =	sst s0  }
0x18: {  	s0 =	sld [smem:$0x3F98];
	_ =	swait.ge [sflag:s4], $0x0  }
0x19: {  	s7 =	sld [smem:$0x3F99]  }
0x1a: {  	s8 =	sadd.s32 $0xFFFFE003, lr  }
0x1b: {  	s9 =	sadd.s32 $0xFFFFFEF7, lr;
	s5 =	simm.s32 $0xFFFFFFFF;
	p2 =	slt.u32 s8, $0xFFFFF086  }
0x1c: {  	p1 =	slt.u32 s9, $0xF7A;
	s5 =	simm.s32 @!p2 $0x0  }
0x1d: {  	s5 =	simm.s32 @p1 $0x1;
	p0 =	seq.s32 s7, s2  }
0x1e: {  	s7 =	smul.u32 @!p0 $0xF7A, s2;
	p2 =	seq.s32 @!p0 s5, $0x0  }
0x1f: {  	s9 =	smul.u32 $0xF7A, s1;
	s8 =	simm.s32 @!p0 $0x1BF5;
	p2 =	por !p2, p0  }
0x20: {  	[sflag:s8] =	ssyncset.s32 @!p0 $0xFFFFF086;
	s6 =	sadd.s32 @!p0 s3, s7;
	s7 =	simm.s32 @!p0 $0x108  }
0x21: {  	s3 =	sadd.s32 s3, s9;
	s6 =	sadd.s32 @!p0 $0x88, s6;
	s7 =	simm.s32 @p2 $0x1082  }
0x22: {  	[simem:s7], [sflag:s8] =	dma.local @!p0 [hbm:s6], $0xF7A  }
0x23: {  	s9 =	sor.u32 $0xD0000000, s2;
	s6 =	simm.s32 $0x108;
	_ =	swait.ge @!p0 [sflag:s8], $0x0  }
0x24: {  	s3 =	sadd.s32 $0x88, s3;
	s6 =	simm.s32 @!p1 $0x1082;
	[sflag:s4] =	ssyncset.s32 $0xFFFFF086  }
0x25: {  	[simem:s6], [sflag:s4] =	dma.local [hbm:s3], $0xF7A  }
0x26: {  	[smem:$0x3F99] =	sst s1;
	(tag) =	ssettag s2;
	_ =	strace s9  }
0x27: {  	s1 =	sld [smem:$0x3FA9]  }
0x28: {  	s2 =	sld [smem:$0x3FAA]  }
0x29: {  	s4 =	sld [smem:$0x3FAC]  }
0x2a: {  	p0 =	seq.s32 s5, $0x0;
	s5 =	sld [smem:$0x3FAD]  }
0x2b: {  	s6 =	sld [smem:$0x3FAE]  }
0x2c: {  	s7 =	sld [smem:$0x3FAF]  }
0x2d: {  	s3 =	simm.s32 $0x108;
	s8 =	sld [smem:$0x3FB0]  }
0x2e: {  	s3 =	simm.s32 @!p0 $0x1082;
	s9 =	sld [smem:$0x3FB1]  }
0x2f: {  	lr =	sadd.s32 s0, s3;
	s0 =	sld [smem:$0x3FA8]  }
0x30: {  	s3 =	sld [smem:$0x3FAB]  }
0x31: {  	[smem:$0x3FB4] =	sst s10  }
0x32: {  	s10 =	sld [smem:$0x3FB2];
	_ =	sdelay $0x3  }
0x33: {  	p0 =	seq.s32 s10, $0x1;
	s10 =	sld [smem:$0x3FB4];
	_ =	sdelay $0x3  }
0x34: {  	[smem:$0x3FB4] =	sst s10  }
0x35: {  	s10 =	sld [smem:$0x3FB3];
	_ =	sdelay $0x3  }
0x36: {  	p1 =	seq.s32 s10, $0x1;
	s10 =	sld [smem:$0x3FB4];
	_ =	sdelay $0x3  }
0x37: {  	[smem:$0x3FB4] =	sst s10  }
0x38: {  	s10 =	sld [smem:$0x3FB5]  }
0x39: {  	_ = 	snop;
	(pc) =	sbr.ind lr, $3  }
0x3a: {  	_ = 	snop  }
0x3b: {  	_ = 	snop  }
0x3c: {  	p2 =	seq.s32 s10, $0x1;
	s10 =	sld [smem:$0x3FB4]  }
0x3d: {  	_ =	shalt  }
0x3e: {  	_ =	shalt  }
0x3f: {  	_ =	shalt  }
0x40: {  	_ =	shalt  }
0x41: {  	_ =	shalt  }
0x42: {  	_ =	shalt  }
0x43: {  	_ =	shalt  }
0x44: {  	_ =	shalt  }
0x45: {  	_ =	shalt  }
0x46: {  	_ =	shalt  }
0x47: {  	_ =	shalt  }
0x48: {  	_ =	shalt  }
0x49: {  	_ =	shalt  }
0x4a: {  	_ =	shalt  }
0x4b: {  	_ =	shalt  }
0x4c: {  	_ =	shalt  }
0x4d: {  	_ =	shalt  }
0x4e: {  	_ =	shalt  }
0x4f: {  	_ =	shalt  }
0x50: {  	_ =	shalt  }
0x51: {  	_ =	shalt  }
0x52: {  	_ =	shalt  }
0x53: {  	_ =	shalt  }
0x54: {  	_ =	shalt  }
0x55: {  	_ =	shalt  }
0x56: {  	_ =	shalt  }
0x57: {  	_ =	shalt  }
0x58: {  	_ =	shalt  }
0x59: {  	_ =	shalt  }
0x5a: {  	_ =	shalt  }
0x5b: {  	_ =	shalt  }
0x5c: {  	_ =	shalt  }
0x5d: {  	_ =	shalt  }
0x5e: {  	_ =	shalt  }
0x5f: {  	_ =	shalt  }
0x60: {  	_ =	shalt  }
0x61: {  	_ =	shalt  }
0x62: {  	_ =	shalt  }
0x63: {  	_ =	shalt  }
0x64: {  	_ =	shalt  }
0x65: {  	_ =	shalt  }
0x66: {  	_ =	shalt  }
0x67: {  	_ =	shalt  }
0x68: {  	_ =	shalt  }
0x69: {  	_ =	shalt  }
0x6a: {  	_ =	shalt  }
0x6b: {  	_ =	shalt  }
0x6c: {  	_ =	shalt  }
0x6d: {  	_ =	shalt  }
0x6e: {  	_ =	shalt  }
0x6f: {  	_ =	shalt  }
0x70: {  	_ =	shalt  }
0x71: {  	_ =	shalt  }
0x72: {  	_ =	shalt  }
0x73: {  	_ =	shalt  }
0x74: {  	_ =	shalt  }
0x75: {  	_ =	shalt  }
0x76: {  	_ =	shalt  }
0x77: {  	_ =	shalt  }
0x78: {  	_ =	shalt  }
0x79: {  	_ =	shalt  }
0x7a: {  	_ =	shalt  }
0x7b: {  	_ =	shalt  }
0x7c: {  	_ =	shalt  }
0x7d: {  	_ =	shalt  }
0x7e: {  	_ =	shalt  }
0x7f: {  	_ =	shalt  }
0x80: {  	_ =	shalt  }
0x81: {  	_ =	shalt  }
0x82: {  	_ =	shalt  }
0x83: {  	_ =	shalt  }
0x84: {  	_ =	shalt  }
0x85: {  	_ =	shalt  }
0x86: {  	_ =	shalt  }
0x87: {  	_ =	shalt  }
.Lfunc_end0:
.L_simem_size_0:
called_computation.2_lowered:
.L_overlay_start_0:
0x88: {  	s2 =	sld [smem:$0x3FD9]  }
0x89: {  	s3 =	sld [smem:$0x3FFE];
	_ =	sdelay $0x1  }
0x8a: {  	s1 =	srdreg.scid  }
0x8b: {  	s0 =	sand.u32 $0x1, s1  }
0x8c: {  	s17 =	sshll.u32 s0, $0xA;
	s2 =	sadd.s32 s3, s2  }
0x8d: {  	s2 =	sadd.s32 s2, s17  }
0x8e: {  	[smem:$0x3FC0] =	sst s2  }
0x8f: {  	_ = 	snop  }
0x90: {  	s2 =	sld [smem:$0x3FD0];
	(tm) =	ssettm $0x1  }
0x91: {  	s18 =	sld [smem:$0x3FFB];
	_ =	sdelay $0x3  }
0x92: {  	_ =	strace s18  }
0x93: {  	s3 =	sld [smem:$0x3FFC];
	_ =	sdelay $0x3  }
0x94: {  	_ =	strace s3  }
0x95: {  	s3 =	sld [smem:$0x3FFD];
	_ =	sdelay $0x3  }
0x96: {  	_ =	strace s3  }
0x97: {  	_ =	strace $0x8FFFFFFF  }
0x98: {  	s19 =	sld [smem:$0x3FDB];
	_ =	sdelay $0x1  }
0x99: {  	s4 =	simm.s32 $_scs_section_size  }
0x9a: {  	s5 =	simm.s32 $_size__tile_overlayer_lowered;
	s6 =	simm.s32 $_tile_overlayer_lowered  }
0x9b: {  	s22 =	simm.s32 $0x1BFF;
	s21 =	sshll.u32 s6, $0x1;
	s3 =	sadd.s32 s4, s19  }
0x9c: {  	s7 =	simm.s32 $0x0;
	s20 =	sshll.u32 s5, $0x1;
	s5 =	sadd.s32 s21, s3  }
0x9d: {  	[timem:s7], [sflag:s22] =	dma.local [hbm:s5], s20  }
0x9e: {  	_ =	swait.ge [sflag:s22], s20  }
0x9f: {  	s4 =	ssub.s32 $0x0, s20;
	[sflag:s22] =	ssyncset.done $0x0  }
0xa0: {  	[sflag:s22] =	ssyncadd.s32 s4;
	_ =	sdelay $0x1  }
0xa1: {  	s23 =	simm.s32 $0x1B8B  }
0xa2: {  	_ =	swait.ge [sflag:s23], $0x1  }
0xa3: {  	[sflag:s23] =	ssyncset.done $0x0  }
0xa4: {  	s25 =	simm.s32 $0x1B8E;
	s24 =	sld [smem:$0x3FFE];
	[sflag:s23] =	ssyncadd.s32 $0xFFFFFFFF  }
0xa5: {  	s26 =	simm.s32 $execute0_lowered;
	[smem:$0x3FD2] =	sst s25  }
0xa6: {  	s5 =	sshll.u32 s26, $0x1;
	_ =	strace $0x8000004C;
	[dreg:$0x1] =	wrdreg $0xFFFFFFFF  }
0xa7: {  	s28 =	simm.s32 $_size_execute0_lowered;
	s3 =	sadd.s32 s3, s5;
	[dreg:$0x0] =	wrdreg $0x0  }
0xa8: {  	s5 =	sshll.u32 s28, $0x1;
	[dreg:$0x2] =	wrdreg s3  }
0xa9: {  	[dreg:$0x3] =	wrdreg s5  }
0xaa: {  	[dreg:$0x4] =	wrdreg $0xC0  }
0xab: {  	_ =	task [dreg:s7], $0x5FFFF  }
0xac: {  	[dreg:$0x1] =	wrdreg $0xFFFFFFFF  }
0xad: {  	[dreg:$0x0] =	wrdreg $0x60  }
0xae: {  	[dreg:$0x2] =	wrdreg s24  }
0xaf: {  	[dreg:$0x3] =	wrdreg s2  }
0xb0: {  	[dreg:$0x4] =	wrdreg $0x0  }
0xb1: {  	[dreg:$0x5] =	wrdreg $0x9  }
0xb2: {  	_ =	task.clear_ibuf [dreg:s7], $0x6FFFF;
	_ =	strace $0x9000004C  }
0xb3: {  	s29 =	simm.s32 $0x9;
	_ =	strace $0x8000004E  }
0xb4: {  	_ =	swait.ge [sflag:s29], $0x1  }
0xb5: {  	[sflag:s29] =	ssyncadd.s32 $0xFFFFFFFF  }
0xb6: {  	_ =	strace $0x9000004E  }
0xb7: {  	_ =	sfence  }
0xb8: {  	s30 =	sld [smem:$0x0];
	_ =	sdelay $0x2  }
0xb9: {  	s31 =	sshll.u32 s1, $0xD;
	s1 =	sshrl.u32 s1, $0x2  }
0xba: {  	s3 =	sand.u32 $0x4000, s31;
	s1 =	sadd.s32 s1, s30  }
0xbb: {  	s0 =	sor.u32 s3, s0;
	s1 =	sshll.u32 s1, $0x11  }
0xbc: {  	s0 =	sor.u32 s1, s0  }
0xbd: {  	s0 =	sadd.s32 $0x8F2B, s0  }
0xbe: {  	[sflag:s0] =	ssyncadd.remote.s32 $0x1  }
0xbf: {  	_ =	sfence.sel $0xFFFF  }
0xc0: {  	[dreg:$0x0] =	wrdreg $0xFFFFFFFF;
	(pc) =	sbr.abs _section_cstart, $3  }
0xc1: {  	[dreg:$0x1] =	wrdreg $0xFFFFFFFF  }
0xc2: {  	_ =	task.clear_ibuf [dreg:s7], $0x2FFFF;
	_ =	strace $0x9FFFFFFF  }
0xc3: {  	(tm) =	ssettm $0x7FFFFFFF  }
tec
execute0_lowered:
.L_overlay_start_1:
0x0: {  	(tag) =	ssettag $0x1  }
0x1: {  	s0 =	rddreg [dreg:$0x0]  }
0x2: {  	s1 =	rddreg [dreg:$0x1]  }
0x3: {  	s2 =	rddreg [dreg:$0x2]  }
0x4: {  	s4 =	srdreg.scid;
	s13 =	stileid.u32  }
0x5: {  	s3 =	simm.s32 $0x0;
	s15 =	simm.s32 $0x1;
	s16 =	simm.s32 $0x40  }
0x6: {  	s17 =	simm.s32 $0x19400;
	s19 =	simm.s32 $0x1B400;
	s20 =	simm.s32 $0x2  }
0x7: {  	s21 =	simm.s32 $0x3;
	s23 =	simm.s32 $0x1D400;
	s29 =	simm.s32 $0x5  }
0x8: {  	s31 =	simm.s32 $0x7;
	s18 =	simm.s32 $0x9;
	s22 =	simm.s32 $0x0  }
0x9: {  	s7 =	sand.u32 $0x1, s4;
	s24 =	sshll.u32 s13, $0x1;
	s10 =	smul.u32 $0x13C00, s13  }
0xa: {  	[smem:$0x7FF] =	sst s3;
	s4 =	sadd.s32 $0x40C00, s0;
	s12 =	smul.u32 $0x4F000, s13  }
0xb: {  	s9 =	sadd.s32 $0xE400, s0;
	s30 =	smul.u32 $0x2780, s13;
	s5 =	sor.u32 s7, s24  }
0xc: {  	_ =	strace $0x8000004D;
	s6 =	ssub.s32 $0x2, s7;
	s8 =	smul.u32 $0x13C000, s7  }
0xd: {  	p0 =	seq.s32 s7, $0x0;
	s24 =	simm.s32 $0x4;
	s5 =	smul.u32 $0x580, s5  }
0xe: {  	s25 =	sshrl.u32 s6, $0x1;
	s28 =	sshrl.u32 s12, $0x2;
	s9 =	smov.u32 @p0 s4  }
0xf: {  	s12 =	simm.s32 $0x13C00;
	s11 =	ssub.s32 s6, s25;
	s26 =	sadd.s32 s10, s8  }
.Ltmp0:
0x10: {  	s14 =	sadd.s32 s28, s2;
	s9 =	sadd.s32 s9, s30;
	(pc) =	sbr.rel .LBB2_1-.Ltmp0, $4  }
0x11: {  	s10 =	sshll.u32 s13, $0x6;
	s13 =	simm.s32 $0x16800;
	s0 =	sadd.s32 s5, s0  }
0x12: {  	s8 =	smax.u32 s11, $0x1;
	s11 =	sor.u32 $0x1C02, s10;
	s14 =	sshrl.u32 s14, $0x3  }
0x13: {  	s5 =	sadd.s32 $0x35C00, s0;
	s6 =	sadd.s32 $0x3000, s0;
	s0 =	sshrl.u32 s26, $0x3  }
0x14: {  	s26 =	simm.s32 $0x6;
	s7 =	sadd.s32 s1, s0;
	s1 =	simm.s32 $0x8  }
.LBB2_4:
0x15: {  	_ =	swait.ge [sflag:s29], $0x2000  }
0x16: {  	[sflag:s29] =	ssyncset.done $0x0  }
0x17: {  	[sflag:s29] =	ssyncadd.s32 $0xFFFFE000  }
0x18: {  	[spmem:s2] =	stream.indirect.scatter.add.f32 [tilespmem:s23], [sflag:$0x8], $0x80, s30, s16, $0xb8;
	[tilespmem:$0x1F400] =	vst v63  }
0x19: {  	_ =	swait.ge [sflag:s31], $0x2000  }
0x1a: {  	[sflag:s31] =	ssyncset.done $0x0  }
0x1b: {  	[sflag:s31] =	ssyncadd.s32 $0xFFFFE000  }
0x1c: {  	_ =	swait.ge [sflag:s1], $0x2000  }
0x1d: {  	s22 =	sadd.s32 $0x1, s22;
	[sflag:s1] =	ssyncset.done $0x0  }
0x1e: {  	p0 =	sne.s32 s22, s8;
	[sflag:s1] =	ssyncadd.s32 $0xFFFFE000  }
.Ltmp1:
0x1f: {  	s0 =	sor.u32 $0x1C09, s10;
	[bflag:$0x0] =	sbarrier.arrive $0xFFFF;
	(pc) =	sbr.rel @!p0 .LBB2_5-.Ltmp1, $4  }
0x20: {  	[hbm:s7], [sflag:s0] =	dma.local [spmem:s14], $0x2780  }
0x21: {  	_ =	swait.ge [sflag:s18], $0x2780  }
0x22: {  	[sflag:s18] =	ssyncset.done $0x0  }
0x23: {  	[sflag:s18] =	ssyncadd.s32 $0xFFFFD880  }
.LBB2_1:
0x24: {  	[tilespmem:s12], [sflag:$0x1] =	stream.linear.gather [hbm4b:s5+s3], $0x2880, $0x38;
	[tilespmem:$0x1F400] =	vst v63  }
0x25: {  	_ = 	snop  }
0x26: {  	[tilespmem:s13], [sflag:$0x1] =	stream.linear.gather [hbm4b:s6+s3], $0x2880, $0x38;
	[tilespmem:$0x1F400] =	vst v63  }
0x27: {  	[spmem:s14], [sflag:s11] =	dma.local [hbm:s9], $0x2780  }
0x28: {  	_ =	swait.ge [sflag:s15], $0x2880  }
0x29: {  	[sflag:s15] =	ssyncset.done $0x0  }
0x2a: {  	[sflag:s15] =	ssyncadd.s32 $0xFFFFD780  }
0x2b: {  	_ =	swait.ge [sflag:s15], $0x2880  }
0x2c: {  	[sflag:s15] =	ssyncset.done $0x0  }
0x2d: {  	[sflag:s15] =	ssyncadd.s32 $0xFFFFD780  }
0x2e: {  	[tilespmem:s17], [sflag:$0x3] =	stream.indirect.gather [hbm4b:s4+s16], $0x80, s12, s16, $0xb8;
	[tilespmem:$0x1F400] =	vst v63  }
0x2f: {  	s0 =	simm.s32 $0x13C80  }
0x30: {  	[tilespmem:s19], [sflag:$0x4] =	stream.indirect.gather [hbm4b:s4+s16], $0x80, s0, s16, $0xb8;
	[tilespmem:$0x1F400] =	vst v63  }
0x31: {  	_ =	swait.ge [sflag:s20], $0x2780  }
0x32: {  	[sflag:s20] =	ssyncset.done $0x0  }
0x33: {  	[sflag:s20] =	ssyncadd.s32 $0xFFFFD880  }
0x34: {  	[bflag:$0x0] =	sbarrier.arrive $0xFFFF  }
0x35: {  	_ =	swait.ge [sflag:s21], $0x2000  }
0x36: {  	[sflag:s21] =	ssyncset.done $0x0  }
0x37: {  	[sflag:s21] =	ssyncadd.s32 $0xFFFFE000  }
0x38: {  	[spmem:s2] =	stream.indirect.scatter.add.f32 [tilespmem:s17], [sflag:$0x6], $0x80, s13, s16, $0xb8;
	[tilespmem:$0x1F400] =	vst v63  }
0x39: {  	s28 =	simm.s32 $0x13D00  }
0x3a: {  	[tilespmem:s23], [sflag:$0x5] =	stream.indirect.gather [hbm4b:s4+s16], $0x80, s28, s16, $0xb8;
	[tilespmem:$0x1F400] =	vst v63  }
0x3b: {  	_ =	swait.ge [sflag:s24], $0x2000  }
0x3c: {  	[sflag:s24] =	ssyncset.done $0x0  }
0x3d: {  	s30 =	simm.s32 $0x16880;
	[sflag:s24] =	ssyncadd.s32 $0xFFFFE000  }
0x3e: {  	[spmem:s2] =	stream.indirect.scatter.add.f32 [tilespmem:s19], [sflag:$0x7], $0x80, s30, s16, $0xb8;
	[tilespmem:$0x1F400] =	vst v63  }
0x3f: {  	_ =	swait.ge [sflag:s26], $0x2000  }
0x40: {  	[sflag:s26] =	ssyncset.done $0x0  }
0x41: {  	s25 =	simm.s32 $0x13D80;
	[sflag:s26] =	ssyncadd.s32 $0xFFFFE000  }
0x42: {  	[tilespmem:s17], [sflag:$0x3] =	stream.indirect.gather [hbm4b:s4+s16], $0x80, s25, s16, $0xb8;
	[tilespmem:$0x1F400] =	vst v63  }
0x43: {  	_ =	swait.ge [sflag:s29], $0x2000  }
0x44: {  	[sflag:s29] =	ssyncset.done $0x0  }
0x45: {  	s28 =	simm.s32 $0x16900;
	[sflag:s29] =	ssyncadd.s32 $0xFFFFE000  }
0x46: {  	[spmem:s2] =	stream.indirect.scatter.add.f32 [tilespmem:s23], [sflag:$0x8], $0x80, s28, s16, $0xb8;
	[tilespmem:$0x1F400] =	vst v63  }
0x47: {  	_ =	swait.ge [sflag:s31], $0x2000  }
0x48: {  	[sflag:s31] =	ssyncset.done $0x0  }
0x49: {  	s30 =	simm.s32 $0x13E00;
	s25 =	simm.s32 $0x0;
	[sflag:s31] =	ssyncadd.s32 $0xFFFFE000  }
0x4a: {  	[tilespmem:s19], [sflag:$0x4] =	stream.indirect.gather [hbm4b:s4+s16], $0x80, s30, s16, $0xb8;
	[tilespmem:$0x1F400] =	vst v63  }
.LBB2_2:
0x4b: {  	_ =	swait.ge [sflag:s21], $0x2000  }
0x4c: {  	s28 =	sshra.s32 s25, $0x2;
	[sflag:s21] =	ssyncset.done $0x0  }
0x4d: {  	s30 =	sadd.s32 $0x16980, s28;
	[sflag:s21] =	ssyncadd.s32 $0xFFFFE000  }
0x4e: {  	[spmem:s2] =	stream.indirect.scatter.add.f32 [tilespmem:s17], [sflag:$0x6], $0x80, s30, s16, $0xb8;
	[tilespmem:$0x1F400] =	vst v63  }
0x4f: {  	_ =	swait.ge [sflag:s1], $0x2000  }
0x50: {  	[sflag:s1] =	ssyncset.done $0x0  }
0x51: {  	s30 =	sadd.s32 $0x13E80, s28;
	[sflag:s1] =	ssyncadd.s32 $0xFFFFE000  }
0x52: {  	[tilespmem:s23], [sflag:$0x5] =	stream.indirect.gather [hbm4b:s4+s16], $0x80, s30, s16, $0xb8;
	[tilespmem:$0x1F400] =	vst v63  }
0x53: {  	_ =	swait.ge [sflag:s24], $0x2000  }
0x54: {  	p0 =	seq.s32 s25, $0x9600;
	[sflag:s24] =	ssyncset.done $0x0  }
.Ltmp2:
0x55: {  	s30 =	sadd.s32 $0x16A00, s28;
	[sflag:s24] =	ssyncadd.s32 $0xFFFFE000;
	(pc) =	sbr.rel @p0 .LBB2_4-.Ltmp2, $4  }
0x56: {  	[spmem:s2] =	stream.indirect.scatter.add.f32 [tilespmem:s19], [sflag:$0x7], $0x80, s30, s16, $0xb8;
	[tilespmem:$0x1F400] =	vst v63  }
0x57: {  	_ =	swait.ge [sflag:s26], $0x2000  }
0x58: {  	[sflag:s26] =	ssyncset.done $0x0  }
0x59: {  	s30 =	sadd.s32 $0x16A80, s28;
	[sflag:s26] =	ssyncadd.s32 $0xFFFFE000  }
0x5a: {  	s0 =	sadd.s32 $0x13F00, s28  }
0x5b: {  	[tilespmem:s17], [sflag:$0x3] =	stream.indirect.gather [hbm4b:s4+s16], $0x80, s0, s16, $0xb8;
	[tilespmem:$0x1F400] =	vst v63  }
0x5c: {  	_ =	swait.ge [sflag:s29], $0x2000  }
0x5d: {  	[sflag:s29] =	ssyncset.done $0x0  }
0x5e: {  	[sflag:s29] =	ssyncadd.s32 $0xFFFFE000  }
0x5f: {  	[spmem:s2] =	stream.indirect.scatter.add.f32 [tilespmem:s23], [sflag:$0x8], $0x80, s30, s16, $0xb8;
	[tilespmem:$0x1F400] =	vst v63  }
.Ltmp3:
0x60: {  	_ = 	snop;
	(pc) =	sbr.rel .LBB2_2-.Ltmp3, $4  }
0x61: {  	_ =	swait.ge [sflag:s31], $0x2000  }
0x62: {  	[sflag:s31] =	ssyncset.done $0x0  }
0x63: {  	s25 =	sadd.s32 $0x600, s25;
	s30 =	sadd.s32 $0x13F80, s28;
	[sflag:s31] =	ssyncadd.s32 $0xFFFFE000  }
0x64: {  	[tilespmem:s19], [sflag:$0x4] =	stream.indirect.gather [hbm4b:s4+s16], $0x80, s30, s16, $0xb8;
	[tilespmem:$0x1F400] =	vst v63  }
.LBB2_5:
0x65: {  	_ =	sfence.sel $0x180000  }
0x66: {  	[bflag:$0x0] =	sbarrier.arrive $0xFFFF  }
0x67: {  	_ =	strace $0x9000004D  }
0x68: {  	s0 =	stileid.u32;
	[bflag:$0x2] =	sbarrier.arrive $0xFFFF  }
0x69: {  	p0 =	sne.s32 s0, $0x0;
	s0 =	rddreg [dreg:$0x3]  }
0x6a: {  	s0 =	sadd.s32 @!p0 $0x100000, s0  }
0x6b: {  	[sflag:s0] =	ssyncadd.tile.s32 @!p0 $0x1;
	_ =	shalt  }
.Lfunc_end2:
_tile_overlayer_lowered:
.L_overlay_start_2:
0x6c: {  	(tag) =	ssettag $0x2  }
0x6d: {  	s0 =	rddreg [dreg:$0x0];
	s2 =	stileid.u32  }
0x6e: {  	s1 =	rddreg [dreg:$0x1];
	p0 =	sne.s32 s2, $0x0  }
0x6f: {  	s3 =	rddreg [dreg:$0x2];
	[bflag:$0x3] =	sbarrier.arrive $0xFFFF;
	s2 =	simm.s32 @!p0 $0x1C09  }
0x70: {  	[timem:s3], [sflag:s2] =	dma.local @!p0 [hbm:s0], s1  }
0x71: {  	s0 =	simm.s32 @!p0 $0x9  }
0x72: {  	_ =	swait.ge @!p0 [sflag:s0], s1  }
0x73: {  	s1 =	ssub.s32 @!p0 $0x0, s1;
	[sflag:s0] =	ssyncset.done @!p0 $0x0  }
0x74: {  	[sflag:s0] =	ssyncadd.s32 @!p0 s1  }
0x75: {  	[bflag:$0x3] =	sbarrier.arrive $0xFFFF  }
0x76: {  	_ =	shalt  }

// kernel: kernel.21.cloned.1.call-start
scs
__scs_entry_jumppad:
0x0: {  	(pc) =	sbr.rel $0x88, $3  }
0x1: {  	(tag) =	ssettag $0x0;
	lr =	simm.s32 $0x1  }
0x2: {  	[smem:$0x3F99] =	sst lr;
	_ =	strace $0xD0000000  }
0x3: {  	_ = 	snop  }
0x4: {  	_ = 	snop  }
0x5: {  	_ = 	snop  }
0x6: {  	_ = 	snop  }
0x7: {  	_ = 	snop  }
__scs_overlays_trampoline_lowered:
0x8: {  	[smem:$0x3FA8] =	sst s0  }
0x9: {  	[smem:$0x3FA9] =	sst s1  }
0xa: {  	[smem:$0x3FAA] =	sst s2  }
0xb: {  	[smem:$0x3FAB] =	sst s3  }
0xc: {  	[smem:$0x3FAC] =	sst s4  }
0xd: {  	[smem:$0x3FAD] =	sst s5  }
0xe: {  	[smem:$0x3FAE] =	sst s6  }
0xf: {  	[smem:$0x3FAF] =	sst s7  }
0x10: {  	[smem:$0x3FB0] =	sst s8  }
0x11: {  	[smem:$0x3FB1] =	sst s9;
	s0 =	simm.s32 @!p0 $0x0  }
0x12: {  	s1 =	sld [smem:$0x3F97];
	s0 =	simm.s32 @p0 $0x1  }
0x13: {  	[smem:$0x3FB2] =	sst s0;
	s0 =	simm.s32 @!p1 $0x0  }
0x14: {  	s2 =	sld [smem:$0x3F96];
	s0 =	simm.s32 @p1 $0x1  }
0x15: {  	[smem:$0x3FB3] =	sst s0;
	s0 =	simm.s32 @!p2 $0x0  }
0x16: {  	s3 =	sld [smem:$0x3FDB];
	s0 =	simm.s32 @p2 $0x1  }
0x17: {  	s4 =	simm.s32 $0x1BF5;
	[smem:$0x3FB5] =	sst s0  }
0x18: {  	s0 =	sld [smem:$0x3F98];
	_ =	swait.ge [sflag:s4], $0x0  }
0x19: {  	s7 =	sld [smem:$0x3F99]  }
0x1a: {  	s8 =	sadd.s32 $0xFFFFE003, lr  }
0x1b: {  	s9 =	sadd.s32 $0xFFFFFEF7, lr;
	s5 =	simm.s32 $0xFFFFFFFF;
	p2 =	slt.u32 s8, $0xFFFFF086  }
0x1c: {  	p1 =	slt.u32 s9, $0xF7A;
	s5 =	simm.s32 @!p2 $0x0  }
0x1d: {  	s5 =	simm.s32 @p1 $0x1;
	p0 =	seq.s32 s7, s2  }
0x1e: {  	s7 =	smul.u32 @!p0 $0xF7A, s2;
	p2 =	seq.s32 @!p0 s5, $0x0  }
0x1f: {  	s9 =	smul.u32 $0xF7A, s1;
	s8 =	simm.s32 @!p0 $0x1BF5;
	p2 =	por !p2, p0  }
0x20: {  	[sflag:s8] =	ssyncset.s32 @!p0 $0xFFFFF086;
	s6 =	sadd.s32 @!p0 s3, s7;
	s7 =	simm.s32 @!p0 $0x108  }
0x21: {  	s3 =	sadd.s32 s3, s9;
	s6 =	sadd.s32 @!p0 $0x88, s6;
	s7 =	simm.s32 @p2 $0x1082  }
0x22: {  	[simem:s7], [sflag:s8] =	dma.local @!p0 [hbm:s6], $0xF7A  }
0x23: {  	s9 =	sor.u32 $0xD0000000, s2;
	s6 =	simm.s32 $0x108;
	_ =	swait.ge @!p0 [sflag:s8], $0x0  }
0x24: {  	s3 =	sadd.s32 $0x88, s3;
	s6 =	simm.s32 @!p1 $0x1082;
	[sflag:s4] =	ssyncset.s32 $0xFFFFF086  }
0x25: {  	[simem:s6], [sflag:s4] =	dma.local [hbm:s3], $0xF7A  }
0x26: {  	[smem:$0x3F99] =	sst s1;
	(tag) =	ssettag s2;
	_ =	strace s9  }
0x27: {  	s1 =	sld [smem:$0x3FA9]  }
0x28: {  	s2 =	sld [smem:$0x3FAA]  }
0x29: {  	s4 =	sld [smem:$0x3FAC]  }
0x2a: {  	p0 =	seq.s32 s5, $0x0;
	s5 =	sld [smem:$0x3FAD]  }
0x2b: {  	s6 =	sld [smem:$0x3FAE]  }
0x2c: {  	s7 =	sld [smem:$0x3FAF]  }
0x2d: {  	s3 =	simm.s32 $0x108;
	s8 =	sld [smem:$0x3FB0]  }
0x2e: {  	s3 =	simm.s32 @!p0 $0x1082;
	s9 =	sld [smem:$0x3FB1]  }
0x2f: {  	lr =	sadd.s32 s0, s3;
	s0 =	sld [smem:$0x3FA8]  }
0x30: {  	s3 =	sld [smem:$0x3FAB]  }
0x31: {  	[smem:$0x3FB4] =	sst s10  }
0x32: {  	s10 =	sld [smem:$0x3FB2];
	_ =	sdelay $0x3  }
0x33: {  	p0 =	seq.s32 s10, $0x1;
	s10 =	sld [smem:$0x3FB4];
	_ =	sdelay $0x3  }
0x34: {  	[smem:$0x3FB4] =	sst s10  }
0x35: {  	s10 =	sld [smem:$0x3FB3];
	_ =	sdelay $0x3  }
0x36: {  	p1 =	seq.s32 s10, $0x1;
	s10 =	sld [smem:$0x3FB4];
	_ =	sdelay $0x3  }
0x37: {  	[smem:$0x3FB4] =	sst s10  }
0x38: {  	s10 =	sld [smem:$0x3FB5]  }
0x39: {  	_ = 	snop;
	(pc) =	sbr.ind lr, $3  }
0x3a: {  	_ = 	snop  }
0x3b: {  	_ = 	snop  }
0x3c: {  	p2 =	seq.s32 s10, $0x1;
	s10 =	sld [smem:$0x3FB4]  }
0x3d: {  	_ =	shalt  }
0x3e: {  	_ =	shalt  }
0x3f: {  	_ =	shalt  }
0x40: {  	_ =	shalt  }
0x41: {  	_ =	shalt  }
0x42: {  	_ =	shalt  }
0x43: {  	_ =	shalt  }
0x44: {  	_ =	shalt  }
0x45: {  	_ =	shalt  }
0x46: {  	_ =	shalt  }
0x47: {  	_ =	shalt  }
0x48: {  	_ =	shalt  }
0x49: {  	_ =	shalt  }
0x4a: {  	_ =	shalt  }
0x4b: {  	_ =	shalt  }
0x4c: {  	_ =	shalt  }
0x4d: {  	_ =	shalt  }
0x4e: {  	_ =	shalt  }
0x4f: {  	_ =	shalt  }
0x50: {  	_ =	shalt  }
0x51: {  	_ =	shalt  }
0x52: {  	_ =	shalt  }
0x53: {  	_ =	shalt  }
0x54: {  	_ =	shalt  }
0x55: {  	_ =	shalt  }
0x56: {  	_ =	shalt  }
0x57: {  	_ =	shalt  }
0x58: {  	_ =	shalt  }
0x59: {  	_ =	shalt  }
0x5a: {  	_ =	shalt  }
0x5b: {  	_ =	shalt  }
0x5c: {  	_ =	shalt  }
0x5d: {  	_ =	shalt  }
0x5e: {  	_ =	shalt  }
0x5f: {  	_ =	shalt  }
0x60: {  	_ =	shalt  }
0x61: {  	_ =	shalt  }
0x62: {  	_ =	shalt  }
0x63: {  	_ =	shalt  }
0x64: {  	_ =	shalt  }
0x65: {  	_ =	shalt  }
0x66: {  	_ =	shalt  }
0x67: {  	_ =	shalt  }
0x68: {  	_ =	shalt  }
0x69: {  	_ =	shalt  }
0x6a: {  	_ =	shalt  }
0x6b: {  	_ =	shalt  }
0x6c: {  	_ =	shalt  }
0x6d: {  	_ =	shalt  }
0x6e: {  	_ =	shalt  }
0x6f: {  	_ =	shalt  }
0x70: {  	_ =	shalt  }
0x71: {  	_ =	shalt  }
0x72: {  	_ =	shalt  }
0x73: {  	_ =	shalt  }
0x74: {  	_ =	shalt  }
0x75: {  	_ =	shalt  }
0x76: {  	_ =	shalt  }
0x77: {  	_ =	shalt  }
0x78: {  	_ =	shalt  }
0x79: {  	_ =	shalt  }
0x7a: {  	_ =	shalt  }
0x7b: {  	_ =	shalt  }
0x7c: {  	_ =	shalt  }
0x7d: {  	_ =	shalt  }
0x7e: {  	_ =	shalt  }
0x7f: {  	_ =	shalt  }
0x80: {  	_ =	shalt  }
0x81: {  	_ =	shalt  }
0x82: {  	_ =	shalt  }
0x83: {  	_ =	shalt  }
0x84: {  	_ =	shalt  }
0x85: {  	_ =	shalt  }
0x86: {  	_ =	shalt  }
0x87: {  	_ =	shalt  }
.Lfunc_end0:
.L_simem_size_0:
called_computation.3_lowered:
.L_overlay_start_0:
0x88: {  	s2 =	sld [smem:$0x3FD9]  }
0x89: {  	s3 =	sld [smem:$0x3FFE];
	_ =	sdelay $0x1  }
0x8a: {  	s1 =	srdreg.scid  }
0x8b: {  	s0 =	sand.u32 $0x1, s1  }
0x8c: {  	s17 =	sshll.u32 s0, $0xA;
	s2 =	sadd.s32 s3, s2  }
0x8d: {  	s2 =	sadd.s32 s2, s17  }
0x8e: {  	[smem:$0x3FC0] =	sst s2  }
0x8f: {  	_ = 	snop  }
0x90: {  	s2 =	sld [smem:$0x3FD0];
	(tm) =	ssettm $0x1  }
0x91: {  	s18 =	sld [smem:$0x3FFB];
	_ =	sdelay $0x3  }
0x92: {  	_ =	strace s18  }
0x93: {  	s3 =	sld [smem:$0x3FFC];
	_ =	sdelay $0x3  }
0x94: {  	_ =	strace s3  }
0x95: {  	s3 =	sld [smem:$0x3FFD];
	_ =	sdelay $0x3  }
0x96: {  	_ =	strace s3  }
0x97: {  	_ =	strace $0x8FFFFFFF  }
0x98: {  	s19 =	sld [smem:$0x3FDB];
	_ =	sdelay $0x1  }
0x99: {  	s4 =	simm.s32 $_scs_section_size  }
0x9a: {  	s5 =	simm.s32 $_size__tile_overlayer_lowered;
	s6 =	simm.s32 $_tile_overlayer_lowered  }
0x9b: {  	s22 =	simm.s32 $0x1BFF;
	s21 =	sshll.u32 s6, $0x1;
	s3 =	sadd.s32 s4, s19  }
0x9c: {  	s7 =	simm.s32 $0x0;
	s20 =	sshll.u32 s5, $0x1;
	s5 =	sadd.s32 s21, s3  }
0x9d: {  	[timem:s7], [sflag:s22] =	dma.local [hbm:s5], s20  }
0x9e: {  	_ =	swait.ge [sflag:s22], s20  }
0x9f: {  	s4 =	ssub.s32 $0x0, s20;
	[sflag:s22] =	ssyncset.done $0x0  }
0xa0: {  	[sflag:s22] =	ssyncadd.s32 s4;
	_ =	sdelay $0x1  }
0xa1: {  	s23 =	simm.s32 $0x1B8B  }
0xa2: {  	_ =	swait.ge [sflag:s23], $0x1  }
0xa3: {  	[sflag:s23] =	ssyncset.done $0x0  }
0xa4: {  	s25 =	simm.s32 $0x1B8E;
	s24 =	sld [smem:$0x3FFE];
	[sflag:s23] =	ssyncadd.s32 $0xFFFFFFFF  }
0xa5: {  	s26 =	simm.s32 $execute0_lowered;
	[smem:$0x3FD2] =	sst s25  }
0xa6: {  	s5 =	sshll.u32 s26, $0x1;
	_ =	strace $0x8000004F;
	[dreg:$0x1] =	wrdreg $0xFFFFFFFF  }
0xa7: {  	s28 =	simm.s32 $_size_execute0_lowered;
	s3 =	sadd.s32 s3, s5;
	[dreg:$0x0] =	wrdreg $0x0  }
0xa8: {  	s5 =	sshll.u32 s28, $0x1;
	[dreg:$0x2] =	wrdreg s3  }
0xa9: {  	[dreg:$0x3] =	wrdreg s5  }
0xaa: {  	[dreg:$0x4] =	wrdreg $0xC0  }
0xab: {  	_ =	task [dreg:s7], $0x5FFFF  }
0xac: {  	[dreg:$0x1] =	wrdreg $0xFFFFFFFF  }
0xad: {  	[dreg:$0x0] =	wrdreg $0x60  }
0xae: {  	[dreg:$0x2] =	wrdreg s24  }
0xaf: {  	[dreg:$0x3] =	wrdreg s2  }
0xb0: {  	[dreg:$0x4] =	wrdreg $0x0  }
0xb1: {  	[dreg:$0x5] =	wrdreg $0x9  }
0xb2: {  	_ =	task.clear_ibuf [dreg:s7], $0x6FFFF;
	_ =	strace $0x9000004F  }
0xb3: {  	s29 =	simm.s32 $0x9;
	_ =	strace $0x80000051  }
0xb4: {  	_ =	swait.ge [sflag:s29], $0x1  }
0xb5: {  	[sflag:s29] =	ssyncadd.s32 $0xFFFFFFFF  }
0xb6: {  	_ =	strace $0x90000051  }
0xb7: {  	_ =	sfence  }
0xb8: {  	s30 =	sld [smem:$0x0];
	_ =	sdelay $0x2  }
0xb9: {  	s31 =	sshll.u32 s1, $0xD;
	s1 =	sshrl.u32 s1, $0x2  }
0xba: {  	s3 =	sand.u32 $0x4000, s31;
	s1 =	sadd.s32 s1, s30  }
0xbb: {  	s0 =	sor.u32 s3, s0;
	s1 =	sshll.u32 s1, $0x11  }
0xbc: {  	s0 =	sor.u32 s1, s0  }
0xbd: {  	s0 =	sadd.s32 $0x8F2B, s0  }
0xbe: {  	[sflag:s0] =	ssyncadd.remote.s32 $0x1  }
0xbf: {  	_ =	sfence.sel $0xFFFF  }
0xc0: {  	[dreg:$0x0] =	wrdreg $0xFFFFFFFF;
	(pc) =	sbr.abs _section_cstart, $3  }
0xc1: {  	[dreg:$0x1] =	wrdreg $0xFFFFFFFF  }
0xc2: {  	_ =	task.clear_ibuf [dreg:s7], $0x2FFFF;
	_ =	strace $0x9FFFFFFF  }
0xc3: {  	(tm) =	ssettm $0x7FFFFFFF  }
tec
execute0_lowered:
.L_overlay_start_1:
0x0: {  	(tag) =	ssettag $0x1  }
0x1: {  	s0 =	rddreg [dreg:$0x0]  }
0x2: {  	s1 =	rddreg [dreg:$0x1]  }
0x3: {  	s2 =	rddreg [dreg:$0x2]  }
0x4: {  	s4 =	srdreg.scid;
	s13 =	stileid.u32  }
0x5: {  	s3 =	simm.s32 $0x0;
	s15 =	simm.s32 $0x1;
	s16 =	simm.s32 $0x40  }
0x6: {  	s17 =	simm.s32 $0x19400;
	s19 =	simm.s32 $0x1B400;
	s20 =	simm.s32 $0x2  }
0x7: {  	s21 =	simm.s32 $0x3;
	s23 =	simm.s32 $0x1D400;
	s29 =	simm.s32 $0x5  }
0x8: {  	s31 =	simm.s32 $0x7;
	s18 =	simm.s32 $0x9;
	s22 =	simm.s32 $0x0  }
0x9: {  	s7 =	sand.u32 $0x1, s4;
	s24 =	sshll.u32 s13, $0x1;
	s10 =	smul.u32 $0x13C00, s13  }
0xa: {  	[smem:$0x7FF] =	sst s3;
	s4 =	sadd.s32 $0x40C00, s0;
	s12 =	smul.u32 $0x4F000, s13  }
0xb: {  	s9 =	sadd.s32 $0xE400, s0;
	s30 =	smul.u32 $0x2780, s13;
	s5 =	sor.u32 s7, s24  }
0xc: {  	_ =	strace $0x80000050;
	s6 =	ssub.s32 $0x2, s7;
	s8 =	smul.u32 $0x13C000, s7  }
0xd: {  	p0 =	seq.s32 s7, $0x0;
	s24 =	simm.s32 $0x4;
	s5 =	smul.u32 $0x580, s5  }
0xe: {  	s25 =	sshrl.u32 s6, $0x1;
	s28 =	sshrl.u32 s12, $0x2;
	s9 =	smov.u32 @p0 s4  }
0xf: {  	s12 =	simm.s32 $0x13C00;
	s11 =	ssub.s32 s6, s25;
	s26 =	sadd.s32 s10, s8  }
.Ltmp0:
0x10: {  	s14 =	sadd.s32 s28, s2;
	s9 =	sadd.s32 s9, s30;
	(pc) =	sbr.rel .LBB2_1-.Ltmp0, $4  }
0x11: {  	s10 =	sshll.u32 s13, $0x6;
	s13 =	simm.s32 $0x16800;
	s0 =	sadd.s32 s5, s0  }
0x12: {  	s8 =	smax.u32 s11, $0x1;
	s11 =	sor.u32 $0x1C02, s10;
	s14 =	sshrl.u32 s14, $0x3  }
0x13: {  	s5 =	sadd.s32 $0x35C00, s0;
	s6 =	sadd.s32 $0x3000, s0;
	s0 =	sshrl.u32 s26, $0x3  }
0x14: {  	s26 =	simm.s32 $0x6;
	s7 =	sadd.s32 s1, s0;
	s1 =	simm.s32 $0x8  }
.LBB2_4:
0x15: {  	_ =	swait.ge [sflag:s29], $0x2000  }
0x16: {  	[sflag:s29] =	ssyncset.done $0x0  }
0x17: {  	[sflag:s29] =	ssyncadd.s32 $0xFFFFE000  }
0x18: {  	[spmem:s2] =	stream.indirect.scatter.add.f32 [tilespmem:s23], [sflag:$0x8], $0x80, s30, s16, $0xb8;
	[tilespmem:$0x1F400] =	vst v63  }
0x19: {  	_ =	swait.ge [sflag:s31], $0x2000  }
0x1a: {  	[sflag:s31] =	ssyncset.done $0x0  }
0x1b: {  	[sflag:s31] =	ssyncadd.s32 $0xFFFFE000  }
0x1c: {  	_ =	swait.ge [sflag:s1], $0x2000  }
0x1d: {  	s22 =	sadd.s32 $0x1, s22;
	[sflag:s1] =	ssyncset.done $0x0  }
0x1e: {  	p0 =	sne.s32 s22, s8;
	[sflag:s1] =	ssyncadd.s32 $0xFFFFE000  }
.Ltmp1:
0x1f: {  	s0 =	sor.u32 $0x1C09, s10;
	[bflag:$0x0] =	sbarrier.arrive $0xFFFF;
	(pc) =	sbr.rel @!p0 .LBB2_5-.Ltmp1, $4  }
0x20: {  	[hbm:s7], [sflag:s0] =	dma.local [spmem:s14], $0x2780  }
0x21: {  	_ =	swait.ge [sflag:s18], $0x2780  }
0x22: {  	[sflag:s18] =	ssyncset.done $0x0  }
0x23: {  	[sflag:s18] =	ssyncadd.s32 $0xFFFFD880  }
.LBB2_1:
0x24: {  	[tilespmem:s12], [sflag:$0x1] =	stream.linear.gather [hbm4b:s5+s3], $0x2880, $0x38;
	[tilespmem:$0x1F400] =	vst v63  }
0x25: {  	_ = 	snop  }
0x26: {  	[tilespmem:s13], [sflag:$0x1] =	stream.linear.gather [hbm4b:s6+s3], $0x2880, $0x38;
	[tilespmem:$0x1F400] =	vst v63  }
0x27: {  	[spmem:s14], [sflag:s11] =	dma.local [hbm:s9], $0x2780  }
0x28: {  	_ =	swait.ge [sflag:s15], $0x2880  }
0x29: {  	[sflag:s15] =	ssyncset.done $0x0  }
0x2a: {  	[sflag:s15] =	ssyncadd.s32 $0xFFFFD780  }
0x2b: {  	_ =	swait.ge [sflag:s15], $0x2880  }
0x2c: {  	[sflag:s15] =	ssyncset.done $0x0  }
0x2d: {  	[sflag:s15] =	ssyncadd.s32 $0xFFFFD780  }
0x2e: {  	[tilespmem:s17], [sflag:$0x3] =	stream.indirect.gather [hbm4b:s4+s16], $0x80, s12, s16, $0xb8;
	[tilespmem:$0x1F400] =	vst v63  }
0x2f: {  	s0 =	simm.s32 $0x13C80  }
0x30: {  	[tilespmem:s19], [sflag:$0x4] =	stream.indirect.gather [hbm4b:s4+s16], $0x80, s0, s16, $0xb8;
	[tilespmem:$0x1F400] =	vst v63  }
0x31: {  	_ =	swait.ge [sflag:s20], $0x2780  }
0x32: {  	[sflag:s20] =	ssyncset.done $0x0  }
0x33: {  	[sflag:s20] =	ssyncadd.s32 $0xFFFFD880  }
0x34: {  	[bflag:$0x0] =	sbarrier.arrive $0xFFFF  }
0x35: {  	_ =	swait.ge [sflag:s21], $0x2000  }
0x36: {  	[sflag:s21] =	ssyncset.done $0x0  }
0x37: {  	[sflag:s21] =	ssyncadd.s32 $0xFFFFE000  }
0x38: {  	[spmem:s2] =	stream.indirect.scatter.add.f32 [tilespmem:s17], [sflag:$0x6], $0x80, s13, s16, $0xb8;
	[tilespmem:$0x1F400] =	vst v63  }
0x39: {  	s28 =	simm.s32 $0x13D00  }
0x3a: {  	[tilespmem:s23], [sflag:$0x5] =	stream.indirect.gather [hbm4b:s4+s16], $0x80, s28, s16, $0xb8;
	[tilespmem:$0x1F400] =	vst v63  }
0x3b: {  	_ =	swait.ge [sflag:s24], $0x2000  }
0x3c: {  	[sflag:s24] =	ssyncset.done $0x0  }
0x3d: {  	s30 =	simm.s32 $0x16880;
	[sflag:s24] =	ssyncadd.s32 $0xFFFFE000  }
0x3e: {  	[spmem:s2] =	stream.indirect.scatter.add.f32 [tilespmem:s19], [sflag:$0x7], $0x80, s30, s16, $0xb8;
	[tilespmem:$0x1F400] =	vst v63  }
0x3f: {  	_ =	swait.ge [sflag:s26], $0x2000  }
0x40: {  	[sflag:s26] =	ssyncset.done $0x0  }
0x41: {  	s25 =	simm.s32 $0x13D80;
	[sflag:s26] =	ssyncadd.s32 $0xFFFFE000  }
0x42: {  	[tilespmem:s17], [sflag:$0x3] =	stream.indirect.gather [hbm4b:s4+s16], $0x80, s25, s16, $0xb8;
	[tilespmem:$0x1F400] =	vst v63  }
0x43: {  	_ =	swait.ge [sflag:s29], $0x2000  }
0x44: {  	[sflag:s29] =	ssyncset.done $0x0  }
0x45: {  	s28 =	simm.s32 $0x16900;
	[sflag:s29] =	ssyncadd.s32 $0xFFFFE000  }
0x46: {  	[spmem:s2] =	stream.indirect.scatter.add.f32 [tilespmem:s23], [sflag:$0x8], $0x80, s28, s16, $0xb8;
	[tilespmem:$0x1F400] =	vst v63  }
0x47: {  	_ =	swait.ge [sflag:s31], $0x2000  }
0x48: {  	[sflag:s31] =	ssyncset.done $0x0  }
0x49: {  	s30 =	simm.s32 $0x13E00;
	s25 =	simm.s32 $0x0;
	[sflag:s31] =	ssyncadd.s32 $0xFFFFE000  }
0x4a: {  	[tilespmem:s19], [sflag:$0x4] =	stream.indirect.gather [hbm4b:s4+s16], $0x80, s30, s16, $0xb8;
	[tilespmem:$0x1F400] =	vst v63  }
.LBB2_2:
0x4b: {  	_ =	swait.ge [sflag:s21], $0x2000  }
0x4c: {  	s28 =	sshra.s32 s25, $0x2;
	[sflag:s21] =	ssyncset.done $0x0  }
0x4d: {  	s30 =	sadd.s32 $0x16980, s28;
	[sflag:s21] =	ssyncadd.s32 $0xFFFFE000  }
0x4e: {  	[spmem:s2] =	stream.indirect.scatter.add.f32 [tilespmem:s17], [sflag:$0x6], $0x80, s30, s16, $0xb8;
	[tilespmem:$0x1F400] =	vst v63  }
0x4f: {  	_ =	swait.ge [sflag:s1], $0x2000  }
0x50: {  	[sflag:s1] =	ssyncset.done $0x0  }
0x51: {  	s30 =	sadd.s32 $0x13E80, s28;
	[sflag:s1] =	ssyncadd.s32 $0xFFFFE000  }
0x52: {  	[tilespmem:s23], [sflag:$0x5] =	stream.indirect.gather [hbm4b:s4+s16], $0x80, s30, s16, $0xb8;
	[tilespmem:$0x1F400] =	vst v63  }
0x53: {  	_ =	swait.ge [sflag:s24], $0x2000  }
0x54: {  	p0 =	seq.s32 s25, $0x9600;
	[sflag:s24] =	ssyncset.done $0x0  }
.Ltmp2:
0x55: {  	s30 =	sadd.s32 $0x16A00, s28;
	[sflag:s24] =	ssyncadd.s32 $0xFFFFE000;
	(pc) =	sbr.rel @p0 .LBB2_4-.Ltmp2, $4  }
0x56: {  	[spmem:s2] =	stream.indirect.scatter.add.f32 [tilespmem:s19], [sflag:$0x7], $0x80, s30, s16, $0xb8;
	[tilespmem:$0x1F400] =	vst v63  }
0x57: {  	_ =	swait.ge [sflag:s26], $0x2000  }
0x58: {  	[sflag:s26] =	ssyncset.done $0x0  }
0x59: {  	s30 =	sadd.s32 $0x16A80, s28;
	[sflag:s26] =	ssyncadd.s32 $0xFFFFE000  }
0x5a: {  	s0 =	sadd.s32 $0x13F00, s28  }
0x5b: {  	[tilespmem:s17], [sflag:$0x3] =	stream.indirect.gather [hbm4b:s4+s16], $0x80, s0, s16, $0xb8;
	[tilespmem:$0x1F400] =	vst v63  }
0x5c: {  	_ =	swait.ge [sflag:s29], $0x2000  }
0x5d: {  	[sflag:s29] =	ssyncset.done $0x0  }
0x5e: {  	[sflag:s29] =	ssyncadd.s32 $0xFFFFE000  }
0x5f: {  	[spmem:s2] =	stream.indirect.scatter.add.f32 [tilespmem:s23], [sflag:$0x8], $0x80, s30, s16, $0xb8;
	[tilespmem:$0x1F400] =	vst v63  }
.Ltmp3:
0x60: {  	_ = 	snop;
	(pc) =	sbr.rel .LBB2_2-.Ltmp3, $4  }
0x61: {  	_ =	swait.ge [sflag:s31], $0x2000  }
0x62: {  	[sflag:s31] =	ssyncset.done $0x0  }
0x63: {  	s25 =	sadd.s32 $0x600, s25;
	s30 =	sadd.s32 $0x13F80, s28;
	[sflag:s31] =	ssyncadd.s32 $0xFFFFE000  }
0x64: {  	[tilespmem:s19], [sflag:$0x4] =	stream.indirect.gather [hbm4b:s4+s16], $0x80, s30, s16, $0xb8;
	[tilespmem:$0x1F400] =	vst v63  }
.LBB2_5:
0x65: {  	_ =	sfence.sel $0x180000  }
0x66: {  	[bflag:$0x0] =	sbarrier.arrive $0xFFFF  }
0x67: {  	_ =	strace $0x90000050  }
0x68: {  	s0 =	stileid.u32;
	[bflag:$0x2] =	sbarrier.arrive $0xFFFF  }
0x69: {  	p0 =	sne.s32 s0, $0x0;
	s0 =	rddreg [dreg:$0x3]  }
0x6a: {  	s0 =	sadd.s32 @!p0 $0x100000, s0  }
0x6b: {  	[sflag:s0] =	ssyncadd.tile.s32 @!p0 $0x1;
	_ =	shalt  }
.Lfunc_end2:
_tile_overlayer_lowered:
.L_overlay_start_2:
0x6c: {  	(tag) =	ssettag $0x2  }
0x6d: {  	s0 =	rddreg [dreg:$0x0];
	s2 =	stileid.u32  }
0x6e: {  	s1 =	rddreg [dreg:$0x1];
	p0 =	sne.s32 s2, $0x0  }
0x6f: {  	s3 =	rddreg [dreg:$0x2];
	[bflag:$0x3] =	sbarrier.arrive $0xFFFF;
	s2 =	simm.s32 @!p0 $0x1C09  }
0x70: {  	[timem:s3], [sflag:s2] =	dma.local @!p0 [hbm:s0], s1  }
0x71: {  	s0 =	simm.s32 @!p0 $0x9  }
0x72: {  	_ =	swait.ge @!p0 [sflag:s0], s1  }
0x73: {  	s1 =	ssub.s32 @!p0 $0x0, s1;
	[sflag:s0] =	ssyncset.done @!p0 $0x0  }
0x74: {  	[sflag:s0] =	ssyncadd.s32 @!p0 s1  }
0x75: {  	[bflag:$0x3] =	sbarrier.arrive $0xFFFF  }
0x76: {  	_ =	shalt  }

</sc_bundles>
